<compile_context>
chip_gen: v7x
topology: tpu7x:2x2x1
jax: 0.10.2.dev20260603
libtpu: 0.0.44.dev20260713+nightly
codegen_flags: <defaults>
</compile_context>

<pallas_src>
import functools

import jax
import jax.numpy as jnp
from jax import lax
from jax.experimental import pallas as pl
from jax.experimental.pallas import tpu as pltpu
from jax.experimental.pallas import tpu_sc as plsc

_B, _C, _F, _H, _W = 4, 3, 16, 224, 224
_PATCH = 16
_NSIDE = _H // _PATCH
_NPATCH = _NSIDE * _NSIDE
_D = _C * _PATCH * _PATCH
_L = 64
_K = 8192
_M = _B * _F * _NPATCH
_TM = 448
_NT = _M // _TM
_KC = 1024
_NKC = _K // _KC


def _tc_body(enc_ref, esq_ref, csq_ref, cb_ref, idx_ref):
    z = enc_ref[...]
    zb = z.astype(jnp.bfloat16)
    esq = esq_ref[...]

    best_d = jnp.full((_TM, 1), jnp.inf, dtype=jnp.float32)
    best_i = jnp.zeros((_TM, 1), dtype=jnp.int32)
    for c in range(_NKC):
        cb = cb_ref[c * _KC:(c + 1) * _KC, :]
        csq = csq_ref[0, c * _KC:(c + 1) * _KC]
        dot = lax.dot_general(zb, cb, (((1,), (1,)), ((), ())),
                              preferred_element_type=jnp.float32)
        sq = (esq + csq[None, :]) - 2.0 * dot
        d = jnp.sqrt(jnp.maximum(sq, 0.0))
        m = jnp.min(d, axis=1, keepdims=True)
        ids = lax.broadcasted_iota(jnp.int32, d.shape, 1) + (c * _KC)
        li = jnp.min(jnp.where(d == m, ids, jnp.int32(2**30)),
                     axis=1, keepdims=True)
        upd = m < best_d
        best_d = jnp.where(upd, m, best_d)
        best_i = jnp.where(upd, li, best_i)
    idx_ref[0] = best_i


def _tc_argmin(enc, enc_sq, cb_sq, codebook):
    out = pl.pallas_call(
        _tc_body,
        grid=(_NT,),
        in_specs=[
            pl.BlockSpec((_TM, _L), lambda i: (i, 0)),
            pl.BlockSpec((_TM, 1), lambda i: (i, 0)),
            pl.BlockSpec((1, _K), lambda i: (0, 0)),
            pl.BlockSpec((_K, _L), lambda i: (0, 0)),
        ],
        out_specs=pl.BlockSpec((1, _TM, 1), lambda i: (i, 0, 0)),
        out_shape=jax.ShapeDtypeStruct((_NT, _TM, 1), jnp.int32),
    )(enc, enc_sq, cb_sq, codebook)
    return out.reshape(_M)


_NW = 32
_BPW = _M // _NW
_GC = 56
_NGC = _BPW // _GC


def _sc_gather(codebook, idx):
    mesh = plsc.VectorSubcoreMesh(core_axis_name="c", subcore_axis_name="s")

    @functools.partial(
        pl.kernel,
        out_type=jax.ShapeDtypeStruct((_M, _L), jnp.float32),
        mesh=mesh,
        scratch_types=[
            pltpu.VMEM((_BPW,), jnp.int32),
            pltpu.VMEM((_BPW, _L), jnp.float32),
            pltpu.SemaphoreType.DMA,
        ],
        compiler_params=pltpu.CompilerParams(use_tc_tiling_on_sc=False),
    )
    def k(table_hbm, idx_hbm, out_hbm, idx_v, rows_v, sem):
        wid = lax.axis_index("s") * 2 + lax.axis_index("c")
        base = wid * _BPW
        pltpu.sync_copy(idx_hbm.at[pl.ds(base, _BPW)], idx_v)
        copies = [
            pltpu.async_copy(table_hbm.at[idx_v.at[pl.ds(j * _GC, _GC)]],
                             rows_v.at[pl.ds(j * _GC, _GC)], sem)
            for j in range(_NGC)
        ]
        for cp in copies:
            cp.wait()
        pltpu.sync_copy(rows_v, out_hbm.at[pl.ds(base, _BPW)])

    return k(codebook, idx)


def _patchify(x):
    x = jnp.transpose(x, (0, 2, 1, 3, 4))
    x = x.reshape(_B, _F, _C, _NSIDE, _PATCH, _NSIDE, _PATCH)
    x = jnp.transpose(x, (0, 1, 3, 5, 2, 4, 6))
    return x.reshape(_B, _F, _NPATCH, _D)


def kernel(x, pos_space, pos_time, ln_scale, ln_bias, W_proj, b_proj,
           codebook):
    h = _patchify(x) + pos_space + pos_time
    mu = jnp.mean(h, axis=-1, keepdims=True)
    var = jnp.var(h, axis=-1, keepdims=True)
    h = (h - mu) / jnp.sqrt(var + 1e-5) * ln_scale + ln_bias
    z_e = jnp.einsum('bfnd,dl->bfnl', h, W_proj) + b_proj
    enc = z_e.reshape(-1, _L)
    enc_sq = jnp.sum(enc * enc, axis=1, keepdims=True)
    cb_sq = jnp.sum(codebook * codebook, axis=1)
    idx = _tc_argmin(enc, enc_sq, cb_sq.reshape(1, _K), codebook)
    z_q = _sc_gather(codebook, idx)
    return z_q.reshape(_B, _F, _NPATCH, _L)

# --- scband reference (transcript-rebuilt; emitter-appended) ---
"""Pipeline reference for scband-stvqvae-42923903156868 (READ-ONLY COPY).

The authoritative reference and input builder live on the scoring server;
editing this copy changes nothing except your own understanding.
"""

import jax, jax.numpy as jnp
import numpy as np

B, C, F, H, W = 4, 3, 16, 224, 224
PATCH = 16
NSIDE = H // PATCH
NPATCH = NSIDE * NSIDE
D_MODEL = C * PATCH * PATCH  # 768
LATENT = 64
K = 8192


def setup_inputs(seed: int = 0) -> dict:
    key = jax.random.key(seed)
    k1, k2, k3 = jax.random.split(key, 3)
    x = jax.random.normal(k1, (B, C, F, H, W), dtype=jnp.float32)
    pos_space = jnp.zeros((1, 1, NPATCH, D_MODEL), dtype=jnp.float32)
    pos_time = jnp.zeros((1, F, 1, D_MODEL), dtype=jnp.float32)
    ln_scale = jnp.ones((D_MODEL,), dtype=jnp.float32)
    ln_bias = jnp.zeros((D_MODEL,), dtype=jnp.float32)
    W_proj = jax.random.normal(k2, (D_MODEL, LATENT), dtype=jnp.float32) * (1.0 / np.sqrt(D_MODEL))
    b_proj = jnp.zeros((LATENT,), dtype=jnp.float32)
    codebook = jax.random.normal(k3, (K, LATENT), dtype=jnp.float32) * 0.02
    return {"x": x, "pos_space": pos_space, "pos_time": pos_time,
            "ln_scale": ln_scale, "ln_bias": ln_bias,
            "W_proj": W_proj, "b_proj": b_proj, "codebook": codebook}


def _patchify(x):
    # [B, C, F, H, W] -> [B, F, NPATCH, C*PATCH*PATCH]
    x = jnp.transpose(x, (0, 2, 1, 3, 4))
    x = x.reshape(B, F, C, NSIDE, PATCH, NSIDE, PATCH)
    x = jnp.transpose(x, (0, 1, 3, 5, 2, 4, 6))
    return x.reshape(B, F, NPATCH, C * PATCH * PATCH)


def _forward(x, pos_space, pos_time, ln_scale, ln_bias, W_proj, b_proj, codebook):
    h = _patchify(x) + pos_space + pos_time
    # encoder tail: LayerNorm + codebook projector
    mu = jnp.mean(h, axis=-1, keepdims=True)
    var = jnp.var(h, axis=-1, keepdims=True)
    h = (h - mu) / jnp.sqrt(var + 1e-5) * ln_scale + ln_bias
    z_e = jnp.einsum('bfnd,dl->bfnl', h, W_proj) + b_proj
    # quantize: cdist -> argmin -> gather codebook
    enc = z_e.reshape(-1, LATENT)
    sq = (jnp.sum(enc * enc, axis=1, keepdims=True)
          + jnp.sum(codebook * codebook, axis=1)[None, :]
          - 2.0 * (enc @ codebook.T))
    dists = jnp.sqrt(jnp.maximum(sq, 0.0))
    idx = jnp.argmin(dists, axis=1)
    z_q = jnp.take(codebook, idx, axis=0)
    return z_q.reshape(B, F, NPATCH, LATENT)


def reference(x, pos_space, pos_time, ln_scale, ln_bias, W_proj, b_proj, codebook):
    return _forward(x, pos_space, pos_time, ln_scale, ln_bias, W_proj, b_proj, codebook)

if __name__ == "__main__":
    import jax
    _d = setup_inputs()
    print(jax.jit(kernel)(*tuple(_d.values())))

</pallas_src>

<mosaic_0001>
#map = affine_map<(d0, d1) -> (0, 0)>
#map1 = affine_map<(d0, d1) -> (0)>
module attributes {stable_mosaic.version = 14 : i64} {
  func.func @k(%arg0: i32, %arg1: i32, %arg2: memref<8192x64xf32, #tpu.memory_space<hbm>>, %arg3: memref<12544xi32, #tpu.memory_space<hbm>>, %arg4: memref<12544x64xf32, #tpu.memory_space<hbm>>, %arg5: memref<392xi32, #tpu.memory_space<vmem>>, %arg6: memref<392x64xf32, #tpu.memory_space<vmem>>, %arg7: memref<!tpu.dma_semaphore, #tpu.memory_space<semaphore_mem>>) attributes {dimension_semantics = [#tpu.dimension_semantics<core_parallel>, #tpu.dimension_semantics<subcore_parallel>], iteration_bounds = array<i64: 2, 16>, scalar_prefetch = 0 : i64, scratch_operands = 3 : i64, tpu.core_type = #tpu.core_type<sc_vector_subcore>, window_params = [{transform_indices = #map}, {transform_indices = #map1}, {transform_indices = #map}]} {
    %mul3A = arith.constant 2 : i32
    %mul3A_0 = arith.muli %arg1, %mul3A : i32
    %add3A = arith.addi %mul3A_0, %arg0 : i32
    %mul3A_1 = arith.constant 392 : i32
    %mul3A_2 = arith.muli %add3A, %mul3A_1 : i32
    "tpu.region"() ({
      %run_scoped3A = tpu.sem_alloc : memref<!tpu.dma_semaphore, #tpu.memory_space<semaphore_mem>>
      %dma_start3A_113 = tpu.memref_slice %arg3[%mul3A_2] : memref<12544xi32, #tpu.memory_space<hbm>> -> memref<392xi32, #tpu.memory_space<hbm>>
      %dma_start3A_114 = tpu.memref_slice %arg3[%mul3A_2] : memref<12544xi32, #tpu.memory_space<hbm>> -> memref<392xi32, #tpu.memory_space<hbm>>
      tpu.enqueue_dma source(%dma_start3A_114 : memref<392xi32, #tpu.memory_space<hbm>>) target(%arg5 : memref<392xi32, #tpu.memory_space<vmem>>) target_semaphore(%run_scoped3A : memref<!tpu.dma_semaphore, #tpu.memory_space<semaphore_mem>>)
      %dma_wait3A_115 = tpu.memref_slice %arg3[%mul3A_2] : memref<12544xi32, #tpu.memory_space<hbm>> -> memref<392xi32, #tpu.memory_space<hbm>>
      %dma_wait3A_116 = tpu.memref_slice %arg3[%mul3A_2] : memref<12544xi32, #tpu.memory_space<hbm>> -> memref<392xi32, #tpu.memory_space<hbm>>
      tpu.wait_dma2 semaphore(%run_scoped3A : memref<!tpu.dma_semaphore, #tpu.memory_space<semaphore_mem>>) src(%dma_wait3A_116 : memref<392xi32, #tpu.memory_space<hbm>>) dst(%arg5 : memref<392xi32, #tpu.memory_space<vmem>>)
      tpu.yield
    }) : () -> ()
    %dma_start3A = arith.constant 0 : i32
    %dma_start3A_3 = arith.constant 0 : i32
    %dma_start3A_4 = tpu.memref_slice %arg6[%dma_start3A, %dma_start3A_3] : memref<392x64xf32, #tpu.memory_space<vmem>> -> memref<56x64xf32, #tpu.memory_space<vmem>>
    %dma_start3A_5 = arith.constant 0 : i32
    %dma_start3A_6 = tpu.memref_slice %arg5[%dma_start3A_5] : memref<392xi32, #tpu.memory_space<vmem>> -> memref<56xi32, #tpu.memory_space<vmem>>
    %dma_start3A_7 = arith.constant 0 : i32
    %dma_start3A_8 = arith.constant 0 : i32
    %dma_start3A_9 = tpu.memref_slice %arg2[%dma_start3A_7, %dma_start3A_8] : memref<8192x64xf32, #tpu.memory_space<hbm>> -> memref<8192x64xf32, #tpu.memory_space<hbm>>
    tpu.enqueue_indirect_dma source(%dma_start3A_9 : memref<8192x64xf32, #tpu.memory_space<hbm>>) target(%dma_start3A_4 : memref<56x64xf32, #tpu.memory_space<vmem>>) offsets(%dma_start3A_6 : memref<56xi32, #tpu.memory_space<vmem>>) semaphore(%arg7 : memref<!tpu.dma_semaphore, #tpu.memory_space<semaphore_mem>>)
    %dma_start3A_10 = arith.constant 56 : i32
    %dma_start3A_11 = arith.constant 0 : i32
    %dma_start3A_12 = tpu.memref_slice %arg6[%dma_start3A_10, %dma_start3A_11] : memref<392x64xf32, #tpu.memory_space<vmem>> -> memref<56x64xf32, #tpu.memory_space<vmem>>
    %dma_start3A_13 = arith.constant 56 : i32
    %dma_start3A_14 = tpu.memref_slice %arg5[%dma_start3A_13] : memref<392xi32, #tpu.memory_space<vmem>> -> memref<56xi32, #tpu.memory_space<vmem>>
    %dma_start3A_15 = arith.constant 0 : i32
    %dma_start3A_16 = arith.constant 0 : i32
    %dma_start3A_17 = tpu.memref_slice %arg2[%dma_start3A_15, %dma_start3A_16] : memref<8192x64xf32, #tpu.memory_space<hbm>> -> memref<8192x64xf32, #tpu.memory_space<hbm>>
    tpu.enqueue_indirect_dma source(%dma_start3A_17 : memref<8192x64xf32, #tpu.memory_space<hbm>>) target(%dma_start3A_12 : memref<56x64xf32, #tpu.memory_space<vmem>>) offsets(%dma_start3A_14 : memref<56xi32, #tpu.memory_space<vmem>>) semaphore(%arg7 : memref<!tpu.dma_semaphore, #tpu.memory_space<semaphore_mem>>)
    %dma_start3A_18 = arith.constant 112 : i32
    %dma_start3A_19 = arith.constant 0 : i32
    %dma_start3A_20 = tpu.memref_slice %arg6[%dma_start3A_18, %dma_start3A_19] : memref<392x64xf32, #tpu.memory_space<vmem>> -> memref<56x64xf32, #tpu.memory_space<vmem>>
    %dma_start3A_21 = arith.constant 112 : i32
    %dma_start3A_22 = tpu.memref_slice %arg5[%dma_start3A_21] : memref<392xi32, #tpu.memory_space<vmem>> -> memref<56xi32, #tpu.memory_space<vmem>>
    %dma_start3A_23 = arith.constant 0 : i32
    %dma_start3A_24 = arith.constant 0 : i32
    %dma_start3A_25 = tpu.memref_slice %arg2[%dma_start3A_23, %dma_start3A_24] : memref<8192x64xf32, #tpu.memory_space<hbm>> -> memref<8192x64xf32, #tpu.memory_space<hbm>>
    tpu.enqueue_indirect_dma source(%dma_start3A_25 : memref<8192x64xf32, #tpu.memory_space<hbm>>) target(%dma_start3A_20 : memref<56x64xf32, #tpu.memory_space<vmem>>) offsets(%dma_start3A_22 : memref<56xi32, #tpu.memory_space<vmem>>) semaphore(%arg7 : memref<!tpu.dma_semaphore, #tpu.memory_space<semaphore_mem>>)
    %dma_start3A_26 = arith.constant 168 : i32
    %dma_start3A_27 = arith.constant 0 : i32
    %dma_start3A_28 = tpu.memref_slice %arg6[%dma_start3A_26, %dma_start3A_27] : memref<392x64xf32, #tpu.memory_space<vmem>> -> memref<56x64xf32, #tpu.memory_space<vmem>>
    %dma_start3A_29 = arith.constant 168 : i32
    %dma_start3A_30 = tpu.memref_slice %arg5[%dma_start3A_29] : memref<392xi32, #tpu.memory_space<vmem>> -> memref<56xi32, #tpu.memory_space<vmem>>
    %dma_start3A_31 = arith.constant 0 : i32
    %dma_start3A_32 = arith.constant 0 : i32
    %dma_start3A_33 = tpu.memref_slice %arg2[%dma_start3A_31, %dma_start3A_32] : memref<8192x64xf32, #tpu.memory_space<hbm>> -> memref<8192x64xf32, #tpu.memory_space<hbm>>
    tpu.enqueue_indirect_dma source(%dma_start3A_33 : memref<8192x64xf32, #tpu.memory_space<hbm>>) target(%dma_start3A_28 : memref<56x64xf32, #tpu.memory_space<vmem>>) offsets(%dma_start3A_30 : memref<56xi32, #tpu.memory_space<vmem>>) semaphore(%arg7 : memref<!tpu.dma_semaphore, #tpu.memory_space<semaphore_mem>>)
    %dma_start3A_34 = arith.constant 224 : i32
    %dma_start3A_35 = arith.constant 0 : i32
    %dma_start3A_36 = tpu.memref_slice %arg6[%dma_start3A_34, %dma_start3A_35] : memref<392x64xf32, #tpu.memory_space<vmem>> -> memref<56x64xf32, #tpu.memory_space<vmem>>
    %dma_start3A_37 = arith.constant 224 : i32
    %dma_start3A_38 = tpu.memref_slice %arg5[%dma_start3A_37] : memref<392xi32, #tpu.memory_space<vmem>> -> memref<56xi32, #tpu.memory_space<vmem>>
    %dma_start3A_39 = arith.constant 0 : i32
    %dma_start3A_40 = arith.constant 0 : i32
    %dma_start3A_41 = tpu.memref_slice %arg2[%dma_start3A_39, %dma_start3A_40] : memref<8192x64xf32, #tpu.memory_space<hbm>> -> memref<8192x64xf32, #tpu.memory_space<hbm>>
    tpu.enqueue_indirect_dma source(%dma_start3A_41 : memref<8192x64xf32, #tpu.memory_space<hbm>>) target(%dma_start3A_36 : memref<56x64xf32, #tpu.memory_space<vmem>>) offsets(%dma_start3A_38 : memref<56xi32, #tpu.memory_space<vmem>>) semaphore(%arg7 : memref<!tpu.dma_semaphore, #tpu.memory_space<semaphore_mem>>)
    %dma_start3A_42 = arith.constant 280 : i32
    %dma_start3A_43 = arith.constant 0 : i32
    %dma_start3A_44 = tpu.memref_slice %arg6[%dma_start3A_42, %dma_start3A_43] : memref<392x64xf32, #tpu.memory_space<vmem>> -> memref<56x64xf32, #tpu.memory_space<vmem>>
    %dma_start3A_45 = arith.constant 280 : i32
    %dma_start3A_46 = tpu.memref_slice %arg5[%dma_start3A_45] : memref<392xi32, #tpu.memory_space<vmem>> -> memref<56xi32, #tpu.memory_space<vmem>>
    %dma_start3A_47 = arith.constant 0 : i32
    %dma_start3A_48 = arith.constant 0 : i32
    %dma_start3A_49 = tpu.memref_slice %arg2[%dma_start3A_47, %dma_start3A_48] : memref<8192x64xf32, #tpu.memory_space<hbm>> -> memref<8192x64xf32, #tpu.memory_space<hbm>>
    tpu.enqueue_indirect_dma source(%dma_start3A_49 : memref<8192x64xf32, #tpu.memory_space<hbm>>) target(%dma_start3A_44 : memref<56x64xf32, #tpu.memory_space<vmem>>) offsets(%dma_start3A_46 : memref<56xi32, #tpu.memory_space<vmem>>) semaphore(%arg7 : memref<!tpu.dma_semaphore, #tpu.memory_space<semaphore_mem>>)
    %dma_start3A_50 = arith.constant 336 : i32
    %dma_start3A_51 = arith.constant 0 : i32
    %dma_start3A_52 = tpu.memref_slice %arg6[%dma_start3A_50, %dma_start3A_51] : memref<392x64xf32, #tpu.memory_space<vmem>> -> memref<56x64xf32, #tpu.memory_space<vmem>>
    %dma_start3A_53 = arith.constant 336 : i32
    %dma_start3A_54 = tpu.memref_slice %arg5[%dma_start3A_53] : memref<392xi32, #tpu.memory_space<vmem>> -> memref<56xi32, #tpu.memory_space<vmem>>
    %dma_start3A_55 = arith.constant 0 : i32
    %dma_start3A_56 = arith.constant 0 : i32
    %dma_start3A_57 = tpu.memref_slice %arg2[%dma_start3A_55, %dma_start3A_56] : memref<8192x64xf32, #tpu.memory_space<hbm>> -> memref<8192x64xf32, #tpu.memory_space<hbm>>
    tpu.enqueue_indirect_dma source(%dma_start3A_57 : memref<8192x64xf32, #tpu.memory_space<hbm>>) target(%dma_start3A_52 : memref<56x64xf32, #tpu.memory_space<vmem>>) offsets(%dma_start3A_54 : memref<56xi32, #tpu.memory_space<vmem>>) semaphore(%arg7 : memref<!tpu.dma_semaphore, #tpu.memory_space<semaphore_mem>>)
    %dma_wait3A = arith.constant 0 : i32
    %dma_wait3A_58 = arith.constant 0 : i32
    %dma_wait3A_59 = tpu.memref_slice %arg6[%dma_wait3A, %dma_wait3A_58] : memref<392x64xf32, #tpu.memory_space<vmem>> -> memref<56x64xf32, #tpu.memory_space<vmem>>
    %dma_wait3A_60 = arith.constant 0 : i32
    %dma_wait3A_61 = tpu.memref_slice %arg5[%dma_wait3A_60] : memref<392xi32, #tpu.memory_space<vmem>> -> memref<56xi32, #tpu.memory_space<vmem>>
    %dma_wait3A_62 = arith.constant 0 : i32
    %dma_wait3A_63 = arith.constant 0 : i32
    %dma_wait3A_64 = tpu.memref_slice %arg2[%dma_wait3A_62, %dma_wait3A_63] : memref<8192x64xf32, #tpu.memory_space<hbm>> -> memref<8192x64xf32, #tpu.memory_space<hbm>>
    tpu.wait_indirect_dma semaphore(%arg7 : memref<!tpu.dma_semaphore, #tpu.memory_space<semaphore_mem>>) src(%dma_wait3A_64 : memref<8192x64xf32, #tpu.memory_space<hbm>>) dst(%dma_wait3A_59 : memref<56x64xf32, #tpu.memory_space<vmem>>)
    %dma_wait3A_65 = arith.constant 56 : i32
    %dma_wait3A_66 = arith.constant 0 : i32
    %dma_wait3A_67 = tpu.memref_slice %arg6[%dma_wait3A_65, %dma_wait3A_66] : memref<392x64xf32, #tpu.memory_space<vmem>> -> memref<56x64xf32, #tpu.memory_space<vmem>>
    %dma_wait3A_68 = arith.constant 56 : i32
    %dma_wait3A_69 = tpu.memref_slice %arg5[%dma_wait3A_68] : memref<392xi32, #tpu.memory_space<vmem>> -> memref<56xi32, #tpu.memory_space<vmem>>
    %dma_wait3A_70 = arith.constant 0 : i32
    %dma_wait3A_71 = arith.constant 0 : i32
    %dma_wait3A_72 = tpu.memref_slice %arg2[%dma_wait3A_70, %dma_wait3A_71] : memref<8192x64xf32, #tpu.memory_space<hbm>> -> memref<8192x64xf32, #tpu.memory_space<hbm>>
    tpu.wait_indirect_dma semaphore(%arg7 : memref<!tpu.dma_semaphore, #tpu.memory_space<semaphore_mem>>) src(%dma_wait3A_72 : memref<8192x64xf32, #tpu.memory_space<hbm>>) dst(%dma_wait3A_67 : memref<56x64xf32, #tpu.memory_space<vmem>>)
    %dma_wait3A_73 = arith.constant 112 : i32
    %dma_wait3A_74 = arith.constant 0 : i32
    %dma_wait3A_75 = tpu.memref_slice %arg6[%dma_wait3A_73, %dma_wait3A_74] : memref<392x64xf32, #tpu.memory_space<vmem>> -> memref<56x64xf32, #tpu.memory_space<vmem>>
    %dma_wait3A_76 = arith.constant 112 : i32
    %dma_wait3A_77 = tpu.memref_slice %arg5[%dma_wait3A_76] : memref<392xi32, #tpu.memory_space<vmem>> -> memref<56xi32, #tpu.memory_space<vmem>>
    %dma_wait3A_78 = arith.constant 0 : i32
    %dma_wait3A_79 = arith.constant 0 : i32
    %dma_wait3A_80 = tpu.memref_slice %arg2[%dma_wait3A_78, %dma_wait3A_79] : memref<8192x64xf32, #tpu.memory_space<hbm>> -> memref<8192x64xf32, #tpu.memory_space<hbm>>
    tpu.wait_indirect_dma semaphore(%arg7 : memref<!tpu.dma_semaphore, #tpu.memory_space<semaphore_mem>>) src(%dma_wait3A_80 : memref<8192x64xf32, #tpu.memory_space<hbm>>) dst(%dma_wait3A_75 : memref<56x64xf32, #tpu.memory_space<vmem>>)
    %dma_wait3A_81 = arith.constant 168 : i32
    %dma_wait3A_82 = arith.constant 0 : i32
    %dma_wait3A_83 = tpu.memref_slice %arg6[%dma_wait3A_81, %dma_wait3A_82] : memref<392x64xf32, #tpu.memory_space<vmem>> -> memref<56x64xf32, #tpu.memory_space<vmem>>
    %dma_wait3A_84 = arith.constant 168 : i32
    %dma_wait3A_85 = tpu.memref_slice %arg5[%dma_wait3A_84] : memref<392xi32, #tpu.memory_space<vmem>> -> memref<56xi32, #tpu.memory_space<vmem>>
    %dma_wait3A_86 = arith.constant 0 : i32
    %dma_wait3A_87 = arith.constant 0 : i32
    %dma_wait3A_88 = tpu.memref_slice %arg2[%dma_wait3A_86, %dma_wait3A_87] : memref<8192x64xf32, #tpu.memory_space<hbm>> -> memref<8192x64xf32, #tpu.memory_space<hbm>>
    tpu.wait_indirect_dma semaphore(%arg7 : memref<!tpu.dma_semaphore, #tpu.memory_space<semaphore_mem>>) src(%dma_wait3A_88 : memref<8192x64xf32, #tpu.memory_space<hbm>>) dst(%dma_wait3A_83 : memref<56x64xf32, #tpu.memory_space<vmem>>)
    %dma_wait3A_89 = arith.constant 224 : i32
    %dma_wait3A_90 = arith.constant 0 : i32
    %dma_wait3A_91 = tpu.memref_slice %arg6[%dma_wait3A_89, %dma_wait3A_90] : memref<392x64xf32, #tpu.memory_space<vmem>> -> memref<56x64xf32, #tpu.memory_space<vmem>>
    %dma_wait3A_92 = arith.constant 224 : i32
    %dma_wait3A_93 = tpu.memref_slice %arg5[%dma_wait3A_92] : memref<392xi32, #tpu.memory_space<vmem>> -> memref<56xi32, #tpu.memory_space<vmem>>
    %dma_wait3A_94 = arith.constant 0 : i32
    %dma_wait3A_95 = arith.constant 0 : i32
    %dma_wait3A_96 = tpu.memref_slice %arg2[%dma_wait3A_94, %dma_wait3A_95] : memref<8192x64xf32, #tpu.memory_space<hbm>> -> memref<8192x64xf32, #tpu.memory_space<hbm>>
    tpu.wait_indirect_dma semaphore(%arg7 : memref<!tpu.dma_semaphore, #tpu.memory_space<semaphore_mem>>) src(%dma_wait3A_96 : memref<8192x64xf32, #tpu.memory_space<hbm>>) dst(%dma_wait3A_91 : memref<56x64xf32, #tpu.memory_space<vmem>>)
    %dma_wait3A_97 = arith.constant 280 : i32
    %dma_wait3A_98 = arith.constant 0 : i32
    %dma_wait3A_99 = tpu.memref_slice %arg6[%dma_wait3A_97, %dma_wait3A_98] : memref<392x64xf32, #tpu.memory_space<vmem>> -> memref<56x64xf32, #tpu.memory_space<vmem>>
    %dma_wait3A_100 = arith.constant 280 : i32
    %dma_wait3A_101 = tpu.memref_slice %arg5[%dma_wait3A_100] : memref<392xi32, #tpu.memory_space<vmem>> -> memref<56xi32, #tpu.memory_space<vmem>>
    %dma_wait3A_102 = arith.constant 0 : i32
    %dma_wait3A_103 = arith.constant 0 : i32
    %dma_wait3A_104 = tpu.memref_slice %arg2[%dma_wait3A_102, %dma_wait3A_103] : memref<8192x64xf32, #tpu.memory_space<hbm>> -> memref<8192x64xf32, #tpu.memory_space<hbm>>
    tpu.wait_indirect_dma semaphore(%arg7 : memref<!tpu.dma_semaphore, #tpu.memory_space<semaphore_mem>>) src(%dma_wait3A_104 : memref<8192x64xf32, #tpu.memory_space<hbm>>) dst(%dma_wait3A_99 : memref<56x64xf32, #tpu.memory_space<vmem>>)
    %dma_wait3A_105 = arith.constant 336 : i32
    %dma_wait3A_106 = arith.constant 0 : i32
    %dma_wait3A_107 = tpu.memref_slice %arg6[%dma_wait3A_105, %dma_wait3A_106] : memref<392x64xf32, #tpu.memory_space<vmem>> -> memref<56x64xf32, #tpu.memory_space<vmem>>
    %dma_wait3A_108 = arith.constant 336 : i32
    %dma_wait3A_109 = tpu.memref_slice %arg5[%dma_wait3A_108] : memref<392xi32, #tpu.memory_space<vmem>> -> memref<56xi32, #tpu.memory_space<vmem>>
    %dma_wait3A_110 = arith.constant 0 : i32
    %dma_wait3A_111 = arith.constant 0 : i32
    %dma_wait3A_112 = tpu.memref_slice %arg2[%dma_wait3A_110, %dma_wait3A_111] : memref<8192x64xf32, #tpu.memory_space<hbm>> -> memref<8192x64xf32, #tpu.memory_space<hbm>>
    tpu.wait_indirect_dma semaphore(%arg7 : memref<!tpu.dma_semaphore, #tpu.memory_space<semaphore_mem>>) src(%dma_wait3A_112 : memref<8192x64xf32, #tpu.memory_space<hbm>>) dst(%dma_wait3A_107 : memref<56x64xf32, #tpu.memory_space<vmem>>)
    "tpu.region"() ({
      %run_scoped3A = tpu.sem_alloc : memref<!tpu.dma_semaphore, #tpu.memory_space<semaphore_mem>>
      %dma_start3A_113 = arith.constant 0 : i32
      %dma_start3A_114 = tpu.memref_slice %arg4[%mul3A_2, %dma_start3A_113] : memref<12544x64xf32, #tpu.memory_space<hbm>> -> memref<392x64xf32, #tpu.memory_space<hbm>>
      %dma_start3A_115 = arith.constant 0 : i32
      %dma_start3A_116 = tpu.memref_slice %arg4[%mul3A_2, %dma_start3A_115] : memref<12544x64xf32, #tpu.memory_space<hbm>> -> memref<392x64xf32, #tpu.memory_space<hbm>>
      tpu.enqueue_dma source(%arg6 : memref<392x64xf32, #tpu.memory_space<vmem>>) target(%dma_start3A_116 : memref<392x64xf32, #tpu.memory_space<hbm>>) target_semaphore(%run_scoped3A : memref<!tpu.dma_semaphore, #tpu.memory_space<semaphore_mem>>)
      %dma_wait3A_117 = arith.constant 0 : i32
      %dma_wait3A_118 = tpu.memref_slice %arg4[%mul3A_2, %dma_wait3A_117] : memref<12544x64xf32, #tpu.memory_space<hbm>> -> memref<392x64xf32, #tpu.memory_space<hbm>>
      %dma_wait3A_119 = arith.constant 0 : i32
      %dma_wait3A_120 = tpu.memref_slice %arg4[%mul3A_2, %dma_wait3A_119] : memref<12544x64xf32, #tpu.memory_space<hbm>> -> memref<392x64xf32, #tpu.memory_space<hbm>>
      tpu.wait_dma2 semaphore(%run_scoped3A : memref<!tpu.dma_semaphore, #tpu.memory_space<semaphore_mem>>) src(%arg6 : memref<392x64xf32, #tpu.memory_space<vmem>>) dst(%dma_wait3A_120 : memref<392x64xf32, #tpu.memory_space<hbm>>)
      tpu.yield
    }) : () -> ()
    return
  }
}

module attributes {stable_mosaic.version = 14 : i64} {
  func.func @_tc_body(%arg0: i32, %arg1: memref<448x64xf32, #tpu.memory_space<vmem>>, %arg2: memref<448x1xf32, #tpu.memory_space<vmem>>, %arg3: memref<1x8192xf32, #tpu.memory_space<vmem>>, %arg4: memref<8192x64xf32, #tpu.memory_space<vmem>>, %arg5: memref<1x448x1xi32, #tpu.memory_space<vmem>>) attributes {dimension_semantics = [#tpu.dimension_semantics<arbitrary>], iteration_bounds = array<i64: 28>, scalar_prefetch = 0 : i64, scratch_operands = 0 : i64, tpu.core_type = #tpu.core_type<tc>, window_params = [{transform_indices = @transform_0, window_bounds = array<i64: 448, 64>}, {transform_indices = @transform_1, window_bounds = array<i64: 448, 1>}, {pipeline_mode = #tpu.pipeline_mode<synchronous>, transform_indices = @transform_2, window_bounds = array<i64: 1, 8192>}, {pipeline_mode = #tpu.pipeline_mode<synchronous>, transform_indices = @transform_3, window_bounds = array<i64: 8192, 64>}, {transform_indices = @transform_4, window_bounds = array<i64: 1, 448, 1>}]} {
    %get3A = arith.constant 0 : index
    %get3A_0 = arith.constant 0 : index
    %get3A_1 = vector.load %arg1[%get3A, %get3A_0] : memref<448x64xf32, #tpu.memory_space<vmem>>, vector<448x64xf32>
    %convert_element_type3A = arith.truncf %get3A_1 : vector<448x64xf32> to vector<448x64xbf16>
    %get3A_2 = arith.constant 0 : index
    %get3A_3 = arith.constant 0 : index
    %get3A_4 = vector.load %arg2[%get3A_2, %get3A_3] : memref<448x1xf32, #tpu.memory_space<vmem>>, vector<448x1xf32>
    %broadcast_in_dim3A = arith.constant 0x7F800000 : f32
    %broadcast_in_dim3A_5 = vector.broadcast %broadcast_in_dim3A : f32 to vector<448x1xf32>
    %broadcast_in_dim3A_6 = arith.constant 0 : i32
    %broadcast_in_dim3A_7 = vector.broadcast %broadcast_in_dim3A_6 : i32 to vector<448x1xi32>
    %get3A_8 = arith.constant 0 : index
    %get3A_9 = arith.constant 0 : index
    %get3A_10 = vector.load %arg4[%get3A_8, %get3A_9] : memref<8192x64xf32, #tpu.memory_space<vmem>>, vector<1024x64xf32>
    %get3A_11 = arith.constant 0 : index
    %get3A_12 = arith.constant 0 : index
    %get3A_13 = vector.load %arg3[%get3A_11, %get3A_12] : memref<1x8192xf32, #tpu.memory_space<vmem>>, vector<1x1024xf32>
    %get3A_14 = vector.shape_cast %get3A_13 : vector<1x1024xf32> to vector<1024xf32>
    %dot_general3A = arith.constant dense<0.000000e+00> : vector<448x1024xf32>
    %dot_general3A_15 = tpu.matmul %convert_element_type3A, %get3A_10, %dot_general3A {dimension_numbers = #tpu.dot_dimension_numbers<[1], [1], [0], [0], [0, 0, 1, 0], [], []>, transpose_lhs_hint = false} : vector<448x64xbf16>, vector<1024x64xf32>, vector<448x1024xf32> -> vector<448x1024xf32>
    %broadcast_in_dim3A_16 = vector.shape_cast %get3A_14 : vector<1024xf32> to vector<1x1024xf32>
    %add3A = vector.broadcast %get3A_4 : vector<448x1xf32> to vector<448x1024xf32>
    %add3A_17 = vector.broadcast %broadcast_in_dim3A_16 : vector<1x1024xf32> to vector<448x1024xf32>
    %add3A_18 = arith.addf %add3A, %add3A_17 : vector<448x1024xf32>
    %mul3A = arith.constant 2.000000e+00 : f32
    %mul3A_19 = vector.broadcast %mul3A : f32 to vector<448x1024xf32>
    %mul3A_20 = arith.mulf %mul3A_19, %dot_general3A_15 : vector<448x1024xf32>
    %sub3A = arith.subf %add3A_18, %mul3A_20 : vector<448x1024xf32>
    %max3A = arith.constant 0.000000e+00 : f32
    %max3A_21 = vector.broadcast %max3A : f32 to vector<448x1024xf32>
    %max3A_22 = arith.maximumf %sub3A, %max3A_21 : vector<448x1024xf32>
    %sqrt3A = math.sqrt %max3A_22 : vector<448x1024xf32>
    %reduce_min3A = arith.constant dense<0x7F800000> : vector<448xf32>
    %reduce_min3A_23 = vector.multi_reduction <minimumf>, %sqrt3A, %reduce_min3A [1] : vector<448x1024xf32> to vector<448xf32>
    %broadcast_in_dim3A_24 = vector.shape_cast %reduce_min3A_23 : vector<448xf32> to vector<448x1xf32>
    %iota3A = tpu.iota {dimensions = array<i32: 1>} : vector<448x1024xi32>
    %add3A_25 = arith.constant 0 : i32
    %add3A_26 = vector.broadcast %add3A_25 : i32 to vector<448x1024xi32>
    %add3A_27 = arith.addi %iota3A, %add3A_26 : vector<448x1024xi32>
    %eq3A = vector.broadcast %broadcast_in_dim3A_24 : vector<448x1xf32> to vector<448x1024xf32>
    %eq3A_28 = arith.cmpf oeq, %sqrt3A, %eq3A : vector<448x1024xf32>
    %jit3A = arith.constant 1073741824 : i32
    %broadcast_in_dim3A_29 = vector.broadcast %jit3A : i32 to vector<448x1024xi32>
    %select_n3A = arith.select %eq3A_28, %add3A_27, %broadcast_in_dim3A_29 : vector<448x1024xi1>, vector<448x1024xi32>
    %reduce_min3A_30 = arith.constant dense<2147483647> : vector<448xi32>
    %reduce_min3A_31 = vector.multi_reduction <minsi>, %select_n3A, %reduce_min3A_30 [1] : vector<448x1024xi32> to vector<448xi32>
    %broadcast_in_dim3A_32 = vector.shape_cast %reduce_min3A_31 : vector<448xi32> to vector<448x1xi32>
    %lt3A = arith.cmpf olt, %broadcast_in_dim3A_24, %broadcast_in_dim3A_5 : vector<448x1xf32>
    %select_n3A_33 = arith.select %lt3A, %broadcast_in_dim3A_24, %broadcast_in_dim3A_5 : vector<448x1xi1>, vector<448x1xf32>
    %select_n3A_34 = arith.select %lt3A, %broadcast_in_dim3A_32, %broadcast_in_dim3A_7 : vector<448x1xi1>, vector<448x1xi32>
    %get3A_35 = arith.constant 1024 : index
    %get3A_36 = arith.constant 0 : index
    %get3A_37 = vector.load %arg4[%get3A_35, %get3A_36] : memref<8192x64xf32, #tpu.memory_space<vmem>>, vector<1024x64xf32>
    %get3A_38 = arith.constant 0 : index
    %get3A_39 = arith.constant 1024 : index
    %get3A_40 = vector.load %arg3[%get3A_38, %get3A_39] : memref<1x8192xf32, #tpu.memory_space<vmem>>, vector<1x1024xf32>
    %get3A_41 = vector.shape_cast %get3A_40 : vector<1x1024xf32> to vector<1024xf32>
    %dot_general3A_42 = arith.constant dense<0.000000e+00> : vector<448x1024xf32>
    %dot_general3A_43 = tpu.matmul %convert_element_type3A, %get3A_37, %dot_general3A_42 {dimension_numbers = #tpu.dot_dimension_numbers<[1], [1], [0], [0], [0, 0, 1, 0], [], []>, transpose_lhs_hint = false} : vector<448x64xbf16>, vector<1024x64xf32>, vector<448x1024xf32> -> vector<448x1024xf32>
    %broadcast_in_dim3A_44 = vector.shape_cast %get3A_41 : vector<1024xf32> to vector<1x1024xf32>
    %add3A_45 = vector.broadcast %get3A_4 : vector<448x1xf32> to vector<448x1024xf32>
    %add3A_46 = vector.broadcast %broadcast_in_dim3A_44 : vector<1x1024xf32> to vector<448x1024xf32>
    %add3A_47 = arith.addf %add3A_45, %add3A_46 : vector<448x1024xf32>
    %mul3A_48 = arith.constant 2.000000e+00 : f32
    %mul3A_49 = vector.broadcast %mul3A_48 : f32 to vector<448x1024xf32>
    %mul3A_50 = arith.mulf %mul3A_49, %dot_general3A_43 : vector<448x1024xf32>
    %sub3A_51 = arith.subf %add3A_47, %mul3A_50 : vector<448x1024xf32>
    %max3A_52 = arith.constant 0.000000e+00 : f32
    %max3A_53 = vector.broadcast %max3A_52 : f32 to vector<448x1024xf32>
    %max3A_54 = arith.maximumf %sub3A_51, %max3A_53 : vector<448x1024xf32>
    %sqrt3A_55 = math.sqrt %max3A_54 : vector<448x1024xf32>
    %reduce_min3A_56 = arith.constant dense<0x7F800000> : vector<448xf32>
    %reduce_min3A_57 = vector.multi_reduction <minimumf>, %sqrt3A_55, %reduce_min3A_56 [1] : vector<448x1024xf32> to vector<448xf32>
    %broadcast_in_dim3A_58 = vector.shape_cast %reduce_min3A_57 : vector<448xf32> to vector<448x1xf32>
    %iota3A_59 = tpu.iota {dimensions = array<i32: 1>} : vector<448x1024xi32>
    %add3A_60 = arith.constant 1024 : i32
    %add3A_61 = vector.broadcast %add3A_60 : i32 to vector<448x1024xi32>
    %add3A_62 = arith.addi %iota3A_59, %add3A_61 : vector<448x1024xi32>
    %eq3A_63 = vector.broadcast %broadcast_in_dim3A_58 : vector<448x1xf32> to vector<448x1024xf32>
    %eq3A_64 = arith.cmpf oeq, %sqrt3A_55, %eq3A_63 : vector<448x1024xf32>
    %jit3A_65 = arith.constant 1073741824 : i32
    %broadcast_in_dim3A_66 = vector.broadcast %jit3A_65 : i32 to vector<448x1024xi32>
    %select_n3A_67 = arith.select %eq3A_64, %add3A_62, %broadcast_in_dim3A_66 : vector<448x1024xi1>, vector<448x1024xi32>
    %reduce_min3A_68 = arith.constant dense<2147483647> : vector<448xi32>
    %reduce_min3A_69 = vector.multi_reduction <minsi>, %select_n3A_67, %reduce_min3A_68 [1] : vector<448x1024xi32> to vector<448xi32>
    %broadcast_in_dim3A_70 = vector.shape_cast %reduce_min3A_69 : vector<448xi32> to vector<448x1xi32>
    %lt3A_71 = arith.cmpf olt, %broadcast_in_dim3A_58, %select_n3A_33 : vector<448x1xf32>
    %select_n3A_72 = arith.select %lt3A_71, %broadcast_in_dim3A_58, %select_n3A_33 : vector<448x1xi1>, vector<448x1xf32>
    %select_n3A_73 = arith.select %lt3A_71, %broadcast_in_dim3A_70, %select_n3A_34 : vector<448x1xi1>, vector<448x1xi32>
    %get3A_74 = arith.constant 2048 : index
    %get3A_75 = arith.constant 0 : index
    %get3A_76 = vector.load %arg4[%get3A_74, %get3A_75] : memref<8192x64xf32, #tpu.memory_space<vmem>>, vector<1024x64xf32>
    %get3A_77 = arith.constant 0 : index
    %get3A_78 = arith.constant 2048 : index
    %get3A_79 = vector.load %arg3[%get3A_77, %get3A_78] : memref<1x8192xf32, #tpu.memory_space<vmem>>, vector<1x1024xf32>
    %get3A_80 = vector.shape_cast %get3A_79 : vector<1x1024xf32> to vector<1024xf32>
    %dot_general3A_81 = arith.constant dense<0.000000e+00> : vector<448x1024xf32>
    %dot_general3A_82 = tpu.matmul %convert_element_type3A, %get3A_76, %dot_general3A_81 {dimension_numbers = #tpu.dot_dimension_numbers<[1], [1], [0], [0], [0, 0, 1, 0], [], []>, transpose_lhs_hint = false} : vector<448x64xbf16>, vector<1024x64xf32>, vector<448x1024xf32> -> vector<448x1024xf32>
    %broadcast_in_dim3A_83 = vector.shape_cast %get3A_80 : vector<1024xf32> to vector<1x1024xf32>
    %add3A_84 = vector.broadcast %get3A_4 : vector<448x1xf32> to vector<448x1024xf32>
    %add3A_85 = vector.broadcast %broadcast_in_dim3A_83 : vector<1x1024xf32> to vector<448x1024xf32>
    %add3A_86 = arith.addf %add3A_84, %add3A_85 : vector<448x1024xf32>
    %mul3A_87 = arith.constant 2.000000e+00 : f32
    %mul3A_88 = vector.broadcast %mul3A_87 : f32 to vector<448x1024xf32>
    %mul3A_89 = arith.mulf %mul3A_88, %dot_general3A_82 : vector<448x1024xf32>
    %sub3A_90 = arith.subf %add3A_86, %mul3A_89 : vector<448x1024xf32>
    %max3A_91 = arith.constant 0.000000e+00 : f32
    %max3A_92 = vector.broadcast %max3A_91 : f32 to vector<448x1024xf32>
    %max3A_93 = arith.maximumf %sub3A_90, %max3A_92 : vector<448x1024xf32>
    %sqrt3A_94 = math.sqrt %max3A_93 : vector<448x1024xf32>
    %reduce_min3A_95 = arith.constant dense<0x7F800000> : vector<448xf32>
    %reduce_min3A_96 = vector.multi_reduction <minimumf>, %sqrt3A_94, %reduce_min3A_95 [1] : vector<448x1024xf32> to vector<448xf32>
    %broadcast_in_dim3A_97 = vector.shape_cast %reduce_min3A_96 : vector<448xf32> to vector<448x1xf32>
    %iota3A_98 = tpu.iota {dimensions = array<i32: 1>} : vector<448x1024xi32>
    %add3A_99 = arith.constant 2048 : i32
    %add3A_100 = vector.broadcast %add3A_99 : i32 to vector<448x1024xi32>
    %add3A_101 = arith.addi %iota3A_98, %add3A_100 : vector<448x1024xi32>
    %eq3A_102 = vector.broadcast %broadcast_in_dim3A_97 : vector<448x1xf32> to vector<448x1024xf32>
    %eq3A_103 = arith.cmpf oeq, %sqrt3A_94, %eq3A_102 : vector<448x1024xf32>
    %jit3A_104 = arith.constant 1073741824 : i32
    %broadcast_in_dim3A_105 = vector.broadcast %jit3A_104 : i32 to vector<448x1024xi32>
    %select_n3A_106 = arith.select %eq3A_103, %add3A_101, %broadcast_in_dim3A_105 : vector<448x1024xi1>, vector<448x1024xi32>
    %reduce_min3A_107 = arith.constant dense<2147483647> : vector<448xi32>
    %reduce_min3A_108 = vector.multi_reduction <minsi>, %select_n3A_106, %reduce_min3A_107 [1] : vector<448x1024xi32> to vector<448xi32>
    %broadcast_in_dim3A_109 = vector.shape_cast %reduce_min3A_108 : vector<448xi32> to vector<448x1xi32>
    %lt3A_110 = arith.cmpf olt, %broadcast_in_dim3A_97, %select_n3A_72 : vector<448x1xf32>
    %select_n3A_111 = arith.select %lt3A_110, %broadcast_in_dim3A_97, %select_n3A_72 : vector<448x1xi1>, vector<448x1xf32>
    %select_n3A_112 = arith.select %lt3A_110, %broadcast_in_dim3A_109, %select_n3A_73 : vector<448x1xi1>, vector<448x1xi32>
    %get3A_113 = arith.constant 3072 : index
    %get3A_114 = arith.constant 0 : index
    %get3A_115 = vector.load %arg4[%get3A_113, %get3A_114] : memref<8192x64xf32, #tpu.memory_space<vmem>>, vector<1024x64xf32>
    %get3A_116 = arith.constant 0 : index
    %get3A_117 = arith.constant 3072 : index
    %get3A_118 = vector.load %arg3[%get3A_116, %get3A_117] : memref<1x8192xf32, #tpu.memory_space<vmem>>, vector<1x1024xf32>
    %get3A_119 = vector.shape_cast %get3A_118 : vector<1x1024xf32> to vector<1024xf32>
    %dot_general3A_120 = arith.constant dense<0.000000e+00> : vector<448x1024xf32>
    %dot_general3A_121 = tpu.matmul %convert_element_type3A, %get3A_115, %dot_general3A_120 {dimension_numbers = #tpu.dot_dimension_numbers<[1], [1], [0], [0], [0, 0, 1, 0], [], []>, transpose_lhs_hint = false} : vector<448x64xbf16>, vector<1024x64xf32>, vector<448x1024xf32> -> vector<448x1024xf32>
    %broadcast_in_dim3A_122 = vector.shape_cast %get3A_119 : vector<1024xf32> to vector<1x1024xf32>
    %add3A_123 = vector.broadcast %get3A_4 : vector<448x1xf32> to vector<448x1024xf32>
    %add3A_124 = vector.broadcast %broadcast_in_dim3A_122 : vector<1x1024xf32> to vector<448x1024xf32>
    %add3A_125 = arith.addf %add3A_123, %add3A_124 : vector<448x1024xf32>
    %mul3A_126 = arith.constant 2.000000e+00 : f32
    %mul3A_127 = vector.broadcast %mul3A_126 : f32 to vector<448x1024xf32>
    %mul3A_128 = arith.mulf %mul3A_127, %dot_general3A_121 : vector<448x1024xf32>
    %sub3A_129 = arith.subf %add3A_125, %mul3A_128 : vector<448x1024xf32>
    %max3A_130 = arith.constant 0.000000e+00 : f32
    %max3A_131 = vector.broadcast %max3A_130 : f32 to vector<448x1024xf32>
    %max3A_132 = arith.maximumf %sub3A_129, %max3A_131 : vector<448x1024xf32>
    %sqrt3A_133 = math.sqrt %max3A_132 : vector<448x1024xf32>
    %reduce_min3A_134 = arith.constant dense<0x7F800000> : vector<448xf32>
    %reduce_min3A_135 = vector.multi_reduction <minimumf>, %sqrt3A_133, %reduce_min3A_134 [1] : vector<448x1024xf32> to vector<448xf32>
    %broadcast_in_dim3A_136 = vector.shape_cast %reduce_min3A_135 : vector<448xf32> to vector<448x1xf32>
    %iota3A_137 = tpu.iota {dimensions = array<i32: 1>} : vector<448x1024xi32>
    %add3A_138 = arith.constant 3072 : i32
    %add3A_139 = vector.broadcast %add3A_138 : i32 to vector<448x1024xi32>
    %add3A_140 = arith.addi %iota3A_137, %add3A_139 : vector<448x1024xi32>
    %eq3A_141 = vector.broadcast %broadcast_in_dim3A_136 : vector<448x1xf32> to vector<448x1024xf32>
    %eq3A_142 = arith.cmpf oeq, %sqrt3A_133, %eq3A_141 : vector<448x1024xf32>
    %jit3A_143 = arith.constant 1073741824 : i32
    %broadcast_in_dim3A_144 = vector.broadcast %jit3A_143 : i32 to vector<448x1024xi32>
    %select_n3A_145 = arith.select %eq3A_142, %add3A_140, %broadcast_in_dim3A_144 : vector<448x1024xi1>, vector<448x1024xi32>
    %reduce_min3A_146 = arith.constant dense<2147483647> : vector<448xi32>
    %reduce_min3A_147 = vector.multi_reduction <minsi>, %select_n3A_145, %reduce_min3A_146 [1] : vector<448x1024xi32> to vector<448xi32>
    %broadcast_in_dim3A_148 = vector.shape_cast %reduce_min3A_147 : vector<448xi32> to vector<448x1xi32>
    %lt3A_149 = arith.cmpf olt, %broadcast_in_dim3A_136, %select_n3A_111 : vector<448x1xf32>
    %select_n3A_150 = arith.select %lt3A_149, %broadcast_in_dim3A_136, %select_n3A_111 : vector<448x1xi1>, vector<448x1xf32>
    %select_n3A_151 = arith.select %lt3A_149, %broadcast_in_dim3A_148, %select_n3A_112 : vector<448x1xi1>, vector<448x1xi32>
    %get3A_152 = arith.constant 4096 : index
    %get3A_153 = arith.constant 0 : index
    %get3A_154 = vector.load %arg4[%get3A_152, %get3A_153] : memref<8192x64xf32, #tpu.memory_space<vmem>>, vector<1024x64xf32>
    %get3A_155 = arith.constant 0 : index
    %get3A_156 = arith.constant 4096 : index
    %get3A_157 = vector.load %arg3[%get3A_155, %get3A_156] : memref<1x8192xf32, #tpu.memory_space<vmem>>, vector<1x1024xf32>
    %get3A_158 = vector.shape_cast %get3A_157 : vector<1x1024xf32> to vector<1024xf32>
    %dot_general3A_159 = arith.constant dense<0.000000e+00> : vector<448x1024xf32>
    %dot_general3A_160 = tpu.matmul %convert_element_type3A, %get3A_154, %dot_general3A_159 {dimension_numbers = #tpu.dot_dimension_numbers<[1], [1], [0], [0], [0, 0, 1, 0], [], []>, transpose_lhs_hint = false} : vector<448x64xbf16>, vector<1024x64xf32>, vector<448x1024xf32> -> vector<448x1024xf32>
    %broadcast_in_dim3A_161 = vector.shape_cast %get3A_158 : vector<1024xf32> to vector<1x1024xf32>
    %add3A_162 = vector.broadcast %get3A_4 : vector<448x1xf32> to vector<448x1024xf32>
    %add3A_163 = vector.broadcast %broadcast_in_dim3A_161 : vector<1x1024xf32> to vector<448x1024xf32>
    %add3A_164 = arith.addf %add3A_162, %add3A_163 : vector<448x1024xf32>
    %mul3A_165 = arith.constant 2.000000e+00 : f32
    %mul3A_166 = vector.broadcast %mul3A_165 : f32 to vector<448x1024xf32>
    %mul3A_167 = arith.mulf %mul3A_166, %dot_general3A_160 : vector<448x1024xf32>
    %sub3A_168 = arith.subf %add3A_164, %mul3A_167 : vector<448x1024xf32>
    %max3A_169 = arith.constant 0.000000e+00 : f32
    %max3A_170 = vector.broadcast %max3A_169 : f32 to vector<448x1024xf32>
    %max3A_171 = arith.maximumf %sub3A_168, %max3A_170 : vector<448x1024xf32>
    %sqrt3A_172 = math.sqrt %max3A_171 : vector<448x1024xf32>
    %reduce_min3A_173 = arith.constant dense<0x7F800000> : vector<448xf32>
    %reduce_min3A_174 = vector.multi_reduction <minimumf>, %sqrt3A_172, %reduce_min3A_173 [1] : vector<448x1024xf32> to vector<448xf32>
    %broadcast_in_dim3A_175 = vector.shape_cast %reduce_min3A_174 : vector<448xf32> to vector<448x1xf32>
    %iota3A_176 = tpu.iota {dimensions = array<i32: 1>} : vector<448x1024xi32>
    %add3A_177 = arith.constant 4096 : i32
    %add3A_178 = vector.broadcast %add3A_177 : i32 to vector<448x1024xi32>
    %add3A_179 = arith.addi %iota3A_176, %add3A_178 : vector<448x1024xi32>
    %eq3A_180 = vector.broadcast %broadcast_in_dim3A_175 : vector<448x1xf32> to vector<448x1024xf32>
    %eq3A_181 = arith.cmpf oeq, %sqrt3A_172, %eq3A_180 : vector<448x1024xf32>
    %jit3A_182 = arith.constant 1073741824 : i32
    %broadcast_in_dim3A_183 = vector.broadcast %jit3A_182 : i32 to vector<448x1024xi32>
    %select_n3A_184 = arith.select %eq3A_181, %add3A_179, %broadcast_in_dim3A_183 : vector<448x1024xi1>, vector<448x1024xi32>
    %reduce_min3A_185 = arith.constant dense<2147483647> : vector<448xi32>
    %reduce_min3A_186 = vector.multi_reduction <minsi>, %select_n3A_184, %reduce_min3A_185 [1] : vector<448x1024xi32> to vector<448xi32>
    %broadcast_in_dim3A_187 = vector.shape_cast %reduce_min3A_186 : vector<448xi32> to vector<448x1xi32>
    %lt3A_188 = arith.cmpf olt, %broadcast_in_dim3A_175, %select_n3A_150 : vector<448x1xf32>
    %select_n3A_189 = arith.select %lt3A_188, %broadcast_in_dim3A_175, %select_n3A_150 : vector<448x1xi1>, vector<448x1xf32>
    %select_n3A_190 = arith.select %lt3A_188, %broadcast_in_dim3A_187, %select_n3A_151 : vector<448x1xi1>, vector<448x1xi32>
    %get3A_191 = arith.constant 5120 : index
    %get3A_192 = arith.constant 0 : index
    %get3A_193 = vector.load %arg4[%get3A_191, %get3A_192] : memref<8192x64xf32, #tpu.memory_space<vmem>>, vector<1024x64xf32>
    %get3A_194 = arith.constant 0 : index
    %get3A_195 = arith.constant 5120 : index
    %get3A_196 = vector.load %arg3[%get3A_194, %get3A_195] : memref<1x8192xf32, #tpu.memory_space<vmem>>, vector<1x1024xf32>
    %get3A_197 = vector.shape_cast %get3A_196 : vector<1x1024xf32> to vector<1024xf32>
    %dot_general3A_198 = arith.constant dense<0.000000e+00> : vector<448x1024xf32>
    %dot_general3A_199 = tpu.matmul %convert_element_type3A, %get3A_193, %dot_general3A_198 {dimension_numbers = #tpu.dot_dimension_numbers<[1], [1], [0], [0], [0, 0, 1, 0], [], []>, transpose_lhs_hint = false} : vector<448x64xbf16>, vector<1024x64xf32>, vector<448x1024xf32> -> vector<448x1024xf32>
    %broadcast_in_dim3A_200 = vector.shape_cast %get3A_197 : vector<1024xf32> to vector<1x1024xf32>
    %add3A_201 = vector.broadcast %get3A_4 : vector<448x1xf32> to vector<448x1024xf32>
    %add3A_202 = vector.broadcast %broadcast_in_dim3A_200 : vector<1x1024xf32> to vector<448x1024xf32>
    %add3A_203 = arith.addf %add3A_201, %add3A_202 : vector<448x1024xf32>
    %mul3A_204 = arith.constant 2.000000e+00 : f32
    %mul3A_205 = vector.broadcast %mul3A_204 : f32 to vector<448x1024xf32>
    %mul3A_206 = arith.mulf %mul3A_205, %dot_general3A_199 : vector<448x1024xf32>
    %sub3A_207 = arith.subf %add3A_203, %mul3A_206 : vector<448x1024xf32>
    %max3A_208 = arith.constant 0.000000e+00 : f32
    %max3A_209 = vector.broadcast %max3A_208 : f32 to vector<448x1024xf32>
    %max3A_210 = arith.maximumf %sub3A_207, %max3A_209 : vector<448x1024xf32>
    %sqrt3A_211 = math.sqrt %max3A_210 : vector<448x1024xf32>
    %reduce_min3A_212 = arith.constant dense<0x7F800000> : vector<448xf32>
    %reduce_min3A_213 = vector.multi_reduction <minimumf>, %sqrt3A_211, %reduce_min3A_212 [1] : vector<448x1024xf32> to vector<448xf32>
    %broadcast_in_dim3A_214 = vector.shape_cast %reduce_min3A_213 : vector<448xf32> to vector<448x1xf32>
    %iota3A_215 = tpu.iota {dimensions = array<i32: 1>} : vector<448x1024xi32>
    %add3A_216 = arith.constant 5120 : i32
    %add3A_217 = vector.broadcast %add3A_216 : i32 to vector<448x1024xi32>
    %add3A_218 = arith.addi %iota3A_215, %add3A_217 : vector<448x1024xi32>
    %eq3A_219 = vector.broadcast %broadcast_in_dim3A_214 : vector<448x1xf32> to vector<448x1024xf32>
    %eq3A_220 = arith.cmpf oeq, %sqrt3A_211, %eq3A_219 : vector<448x1024xf32>
    %jit3A_221 = arith.constant 1073741824 : i32
    %broadcast_in_dim3A_222 = vector.broadcast %jit3A_221 : i32 to vector<448x1024xi32>
    %select_n3A_223 = arith.select %eq3A_220, %add3A_218, %broadcast_in_dim3A_222 : vector<448x1024xi1>, vector<448x1024xi32>
    %reduce_min3A_224 = arith.constant dense<2147483647> : vector<448xi32>
    %reduce_min3A_225 = vector.multi_reduction <minsi>, %select_n3A_223, %reduce_min3A_224 [1] : vector<448x1024xi32> to vector<448xi32>
    %broadcast_in_dim3A_226 = vector.shape_cast %reduce_min3A_225 : vector<448xi32> to vector<448x1xi32>
    %lt3A_227 = arith.cmpf olt, %broadcast_in_dim3A_214, %select_n3A_189 : vector<448x1xf32>
    %select_n3A_228 = arith.select %lt3A_227, %broadcast_in_dim3A_214, %select_n3A_189 : vector<448x1xi1>, vector<448x1xf32>
    %select_n3A_229 = arith.select %lt3A_227, %broadcast_in_dim3A_226, %select_n3A_190 : vector<448x1xi1>, vector<448x1xi32>
    %get3A_230 = arith.constant 6144 : index
    %get3A_231 = arith.constant 0 : index
    %get3A_232 = vector.load %arg4[%get3A_230, %get3A_231] : memref<8192x64xf32, #tpu.memory_space<vmem>>, vector<1024x64xf32>
    %get3A_233 = arith.constant 0 : index
    %get3A_234 = arith.constant 6144 : index
    %get3A_235 = vector.load %arg3[%get3A_233, %get3A_234] : memref<1x8192xf32, #tpu.memory_space<vmem>>, vector<1x1024xf32>
    %get3A_236 = vector.shape_cast %get3A_235 : vector<1x1024xf32> to vector<1024xf32>
    %dot_general3A_237 = arith.constant dense<0.000000e+00> : vector<448x1024xf32>
    %dot_general3A_238 = tpu.matmul %convert_element_type3A, %get3A_232, %dot_general3A_237 {dimension_numbers = #tpu.dot_dimension_numbers<[1], [1], [0], [0], [0, 0, 1, 0], [], []>, transpose_lhs_hint = false} : vector<448x64xbf16>, vector<1024x64xf32>, vector<448x1024xf32> -> vector<448x1024xf32>
    %broadcast_in_dim3A_239 = vector.shape_cast %get3A_236 : vector<1024xf32> to vector<1x1024xf32>
    %add3A_240 = vector.broadcast %get3A_4 : vector<448x1xf32> to vector<448x1024xf32>
    %add3A_241 = vector.broadcast %broadcast_in_dim3A_239 : vector<1x1024xf32> to vector<448x1024xf32>
    %add3A_242 = arith.addf %add3A_240, %add3A_241 : vector<448x1024xf32>
    %mul3A_243 = arith.constant 2.000000e+00 : f32
    %mul3A_244 = vector.broadcast %mul3A_243 : f32 to vector<448x1024xf32>
    %mul3A_245 = arith.mulf %mul3A_244, %dot_general3A_238 : vector<448x1024xf32>
    %sub3A_246 = arith.subf %add3A_242, %mul3A_245 : vector<448x1024xf32>
    %max3A_247 = arith.constant 0.000000e+00 : f32
    %max3A_248 = vector.broadcast %max3A_247 : f32 to vector<448x1024xf32>
    %max3A_249 = arith.maximumf %sub3A_246, %max3A_248 : vector<448x1024xf32>
    %sqrt3A_250 = math.sqrt %max3A_249 : vector<448x1024xf32>
    %reduce_min3A_251 = arith.constant dense<0x7F800000> : vector<448xf32>
    %reduce_min3A_252 = vector.multi_reduction <minimumf>, %sqrt3A_250, %reduce_min3A_251 [1] : vector<448x1024xf32> to vector<448xf32>
    %broadcast_in_dim3A_253 = vector.shape_cast %reduce_min3A_252 : vector<448xf32> to vector<448x1xf32>
    %iota3A_254 = tpu.iota {dimensions = array<i32: 1>} : vector<448x1024xi32>
    %add3A_255 = arith.constant 6144 : i32
    %add3A_256 = vector.broadcast %add3A_255 : i32 to vector<448x1024xi32>
    %add3A_257 = arith.addi %iota3A_254, %add3A_256 : vector<448x1024xi32>
    %eq3A_258 = vector.broadcast %broadcast_in_dim3A_253 : vector<448x1xf32> to vector<448x1024xf32>
    %eq3A_259 = arith.cmpf oeq, %sqrt3A_250, %eq3A_258 : vector<448x1024xf32>
    %jit3A_260 = arith.constant 1073741824 : i32
    %broadcast_in_dim3A_261 = vector.broadcast %jit3A_260 : i32 to vector<448x1024xi32>
    %select_n3A_262 = arith.select %eq3A_259, %add3A_257, %broadcast_in_dim3A_261 : vector<448x1024xi1>, vector<448x1024xi32>
    %reduce_min3A_263 = arith.constant dense<2147483647> : vector<448xi32>
    %reduce_min3A_264 = vector.multi_reduction <minsi>, %select_n3A_262, %reduce_min3A_263 [1] : vector<448x1024xi32> to vector<448xi32>
    %broadcast_in_dim3A_265 = vector.shape_cast %reduce_min3A_264 : vector<448xi32> to vector<448x1xi32>
    %lt3A_266 = arith.cmpf olt, %broadcast_in_dim3A_253, %select_n3A_228 : vector<448x1xf32>
    %select_n3A_267 = arith.select %lt3A_266, %broadcast_in_dim3A_253, %select_n3A_228 : vector<448x1xi1>, vector<448x1xf32>
    %select_n3A_268 = arith.select %lt3A_266, %broadcast_in_dim3A_265, %select_n3A_229 : vector<448x1xi1>, vector<448x1xi32>
    %get3A_269 = arith.constant 7168 : index
    %get3A_270 = arith.constant 0 : index
    %get3A_271 = vector.load %arg4[%get3A_269, %get3A_270] : memref<8192x64xf32, #tpu.memory_space<vmem>>, vector<1024x64xf32>
    %get3A_272 = arith.constant 0 : index
    %get3A_273 = arith.constant 7168 : index
    %get3A_274 = vector.load %arg3[%get3A_272, %get3A_273] : memref<1x8192xf32, #tpu.memory_space<vmem>>, vector<1x1024xf32>
    %get3A_275 = vector.shape_cast %get3A_274 : vector<1x1024xf32> to vector<1024xf32>
    %dot_general3A_276 = arith.constant dense<0.000000e+00> : vector<448x1024xf32>
    %dot_general3A_277 = tpu.matmul %convert_element_type3A, %get3A_271, %dot_general3A_276 {dimension_numbers = #tpu.dot_dimension_numbers<[1], [1], [0], [0], [0, 0, 1, 0], [], []>, transpose_lhs_hint = false} : vector<448x64xbf16>, vector<1024x64xf32>, vector<448x1024xf32> -> vector<448x1024xf32>
    %broadcast_in_dim3A_278 = vector.shape_cast %get3A_275 : vector<1024xf32> to vector<1x1024xf32>
    %add3A_279 = vector.broadcast %get3A_4 : vector<448x1xf32> to vector<448x1024xf32>
    %add3A_280 = vector.broadcast %broadcast_in_dim3A_278 : vector<1x1024xf32> to vector<448x1024xf32>
    %add3A_281 = arith.addf %add3A_279, %add3A_280 : vector<448x1024xf32>
    %mul3A_282 = arith.constant 2.000000e+00 : f32
    %mul3A_283 = vector.broadcast %mul3A_282 : f32 to vector<448x1024xf32>
    %mul3A_284 = arith.mulf %mul3A_283, %dot_general3A_277 : vector<448x1024xf32>
    %sub3A_285 = arith.subf %add3A_281, %mul3A_284 : vector<448x1024xf32>
    %max3A_286 = arith.constant 0.000000e+00 : f32
    %max3A_287 = vector.broadcast %max3A_286 : f32 to vector<448x1024xf32>
    %max3A_288 = arith.maximumf %sub3A_285, %max3A_287 : vector<448x1024xf32>
    %sqrt3A_289 = math.sqrt %max3A_288 : vector<448x1024xf32>
    %reduce_min3A_290 = arith.constant dense<0x7F800000> : vector<448xf32>
    %reduce_min3A_291 = vector.multi_reduction <minimumf>, %sqrt3A_289, %reduce_min3A_290 [1] : vector<448x1024xf32> to vector<448xf32>
    %broadcast_in_dim3A_292 = vector.shape_cast %reduce_min3A_291 : vector<448xf32> to vector<448x1xf32>
    %iota3A_293 = tpu.iota {dimensions = array<i32: 1>} : vector<448x1024xi32>
    %add3A_294 = arith.constant 7168 : i32
    %add3A_295 = vector.broadcast %add3A_294 : i32 to vector<448x1024xi32>
    %add3A_296 = arith.addi %iota3A_293, %add3A_295 : vector<448x1024xi32>
    %eq3A_297 = vector.broadcast %broadcast_in_dim3A_292 : vector<448x1xf32> to vector<448x1024xf32>
    %eq3A_298 = arith.cmpf oeq, %sqrt3A_289, %eq3A_297 : vector<448x1024xf32>
    %jit3A_299 = arith.constant 1073741824 : i32
    %broadcast_in_dim3A_300 = vector.broadcast %jit3A_299 : i32 to vector<448x1024xi32>
    %select_n3A_301 = arith.select %eq3A_298, %add3A_296, %broadcast_in_dim3A_300 : vector<448x1024xi1>, vector<448x1024xi32>
    %reduce_min3A_302 = arith.constant dense<2147483647> : vector<448xi32>
    %reduce_min3A_303 = vector.multi_reduction <minsi>, %select_n3A_301, %reduce_min3A_302 [1] : vector<448x1024xi32> to vector<448xi32>
    %broadcast_in_dim3A_304 = vector.shape_cast %reduce_min3A_303 : vector<448xi32> to vector<448x1xi32>
    %lt3A_305 = arith.cmpf olt, %broadcast_in_dim3A_292, %select_n3A_267 : vector<448x1xf32>
    %select_n3A_306 = arith.select %lt3A_305, %broadcast_in_dim3A_304, %select_n3A_268 : vector<448x1xi1>, vector<448x1xi32>
    %swap3A = arith.constant 0 : index
    %swap3A_307 = arith.constant 0 : index
    %swap3A_308 = arith.constant 0 : index
    %swap3A_309 = vector.load %arg5[%swap3A, %swap3A_307, %swap3A_308] : memref<1x448x1xi32, #tpu.memory_space<vmem>>, vector<1x448x1xi32>
    %swap3A_310 = vector.shape_cast %swap3A_309 : vector<1x448x1xi32> to vector<448x1xi32>
    %swap3A_311 = vector.shape_cast %select_n3A_306 : vector<448x1xi32> to vector<1x448x1xi32>
    tpu.vector_store %arg5[%swap3A, %swap3A_307, %swap3A_308], %swap3A_311 {strides = array<i32>} : memref<1x448x1xi32, #tpu.memory_space<vmem>>, vector<1x448x1xi32>,
    return
  }
  func.func @transform_0(%arg0: i32) -> (i32, i32) {
    %c0_i32 = arith.constant 0 : i32
    %c0_i32_0 = arith.constant 0 : i32
    return %arg0, %c0_i32 : i32, i32
  }
  func.func @transform_1(%arg0: i32) -> (i32, i32) {
    %c0_i32 = arith.constant 0 : i32
    %c0_i32_0 = arith.constant 0 : i32
    return %arg0, %c0_i32 : i32, i32
  }
  func.func @transform_2(%arg0: i32) -> (i32, i32) {
    %c0_i32 = arith.constant 0 : i32
    %c0_i32_0 = arith.constant 0 : i32
    %c0_i32_1 = arith.constant 0 : i32
    return %c0_i32, %c0_i32_0 : i32, i32
  }
  func.func @transform_3(%arg0: i32) -> (i32, i32) {
    %c0_i32 = arith.constant 0 : i32
    %c0_i32_0 = arith.constant 0 : i32
    %c0_i32_1 = arith.constant 0 : i32
    return %c0_i32, %c0_i32_0 : i32, i32
  }
  func.func @transform_4(%arg0: i32) -> (i32, i32, i32) {
    %c0_i32 = arith.constant 0 : i32
    %c0_i32_0 = arith.constant 0 : i32
    %c0_i32_1 = arith.constant 0 : i32
    return %arg0, %c0_i32, %c0_i32_0 : i32, i32, i32
  }
}

</mosaic_0001>

<sc_bundles>
// kernel: kernel.4.cloned.1.call-start
scs
__scs_entry_jumppad:
0x0: {  	(pc) =	sbr.rel $0x88, $3  }
0x1: {  	(tag) =	ssettag $0x0;
	lr =	simm.s32 $0x1  }
0x2: {  	[smem:$0x3F99] =	sst lr;
	_ =	strace $0xD0000000  }
0x3: {  	_ = 	snop  }
0x4: {  	_ = 	snop  }
0x5: {  	_ = 	snop  }
0x6: {  	_ = 	snop  }
0x7: {  	_ = 	snop  }
__scs_overlays_trampoline_lowered:
0x8: {  	[smem:$0x3FA8] =	sst s0  }
0x9: {  	[smem:$0x3FA9] =	sst s1  }
0xa: {  	[smem:$0x3FAA] =	sst s2  }
0xb: {  	[smem:$0x3FAB] =	sst s3  }
0xc: {  	[smem:$0x3FAC] =	sst s4  }
0xd: {  	[smem:$0x3FAD] =	sst s5  }
0xe: {  	[smem:$0x3FAE] =	sst s6  }
0xf: {  	[smem:$0x3FAF] =	sst s7  }
0x10: {  	[smem:$0x3FB0] =	sst s8  }
0x11: {  	[smem:$0x3FB1] =	sst s9;
	s0 =	simm.s32 @!p0 $0x0  }
0x12: {  	s1 =	sld [smem:$0x3F97];
	s0 =	simm.s32 @p0 $0x1  }
0x13: {  	[smem:$0x3FB2] =	sst s0;
	s0 =	simm.s32 @!p1 $0x0  }
0x14: {  	s2 =	sld [smem:$0x3F96];
	s0 =	simm.s32 @p1 $0x1  }
0x15: {  	[smem:$0x3FB3] =	sst s0;
	s0 =	simm.s32 @!p2 $0x0  }
0x16: {  	s3 =	sld [smem:$0x3FDB];
	s0 =	simm.s32 @p2 $0x1  }
0x17: {  	s4 =	simm.s32 $0x1BF5;
	[smem:$0x3FB5] =	sst s0  }
0x18: {  	s0 =	sld [smem:$0x3F98];
	_ =	swait.ge [sflag:s4], $0x0  }
0x19: {  	s7 =	sld [smem:$0x3F99]  }
0x1a: {  	s8 =	sadd.s32 $0xFFFFE003, lr  }
0x1b: {  	s9 =	sadd.s32 $0xFFFFFEF7, lr;
	s5 =	simm.s32 $0xFFFFFFFF;
	p2 =	slt.u32 s8, $0xFFFFF086  }
0x1c: {  	p1 =	slt.u32 s9, $0xF7A;
	s5 =	simm.s32 @!p2 $0x0  }
0x1d: {  	s5 =	simm.s32 @p1 $0x1;
	p0 =	seq.s32 s7, s2  }
0x1e: {  	s7 =	smul.u32 @!p0 $0xF7A, s2;
	p2 =	seq.s32 @!p0 s5, $0x0  }
0x1f: {  	s9 =	smul.u32 $0xF7A, s1;
	s8 =	simm.s32 @!p0 $0x1BF5;
	p2 =	por !p2, p0  }
0x20: {  	[sflag:s8] =	ssyncset.s32 @!p0 $0xFFFFF086;
	s6 =	sadd.s32 @!p0 s3, s7;
	s7 =	simm.s32 @!p0 $0x108  }
0x21: {  	s3 =	sadd.s32 s3, s9;
	s6 =	sadd.s32 @!p0 $0x88, s6;
	s7 =	simm.s32 @p2 $0x1082  }
0x22: {  	[simem:s7], [sflag:s8] =	dma.local @!p0 [hbm:s6], $0xF7A  }
0x23: {  	s9 =	sor.u32 $0xD0000000, s2;
	s6 =	simm.s32 $0x108;
	_ =	swait.ge @!p0 [sflag:s8], $0x0  }
0x24: {  	s3 =	sadd.s32 $0x88, s3;
	s6 =	simm.s32 @!p1 $0x1082;
	[sflag:s4] =	ssyncset.s32 $0xFFFFF086  }
0x25: {  	[simem:s6], [sflag:s4] =	dma.local [hbm:s3], $0xF7A  }
0x26: {  	[smem:$0x3F99] =	sst s1;
	(tag) =	ssettag s2;
	_ =	strace s9  }
0x27: {  	s1 =	sld [smem:$0x3FA9]  }
0x28: {  	s2 =	sld [smem:$0x3FAA]  }
0x29: {  	s4 =	sld [smem:$0x3FAC]  }
0x2a: {  	p0 =	seq.s32 s5, $0x0;
	s5 =	sld [smem:$0x3FAD]  }
0x2b: {  	s6 =	sld [smem:$0x3FAE]  }
0x2c: {  	s7 =	sld [smem:$0x3FAF]  }
0x2d: {  	s3 =	simm.s32 $0x108;
	s8 =	sld [smem:$0x3FB0]  }
0x2e: {  	s3 =	simm.s32 @!p0 $0x1082;
	s9 =	sld [smem:$0x3FB1]  }
0x2f: {  	lr =	sadd.s32 s0, s3;
	s0 =	sld [smem:$0x3FA8]  }
0x30: {  	s3 =	sld [smem:$0x3FAB]  }
0x31: {  	[smem:$0x3FB4] =	sst s10  }
0x32: {  	s10 =	sld [smem:$0x3FB2];
	_ =	sdelay $0x3  }
0x33: {  	p0 =	seq.s32 s10, $0x1;
	s10 =	sld [smem:$0x3FB4];
	_ =	sdelay $0x3  }
0x34: {  	[smem:$0x3FB4] =	sst s10  }
0x35: {  	s10 =	sld [smem:$0x3FB3];
	_ =	sdelay $0x3  }
0x36: {  	p1 =	seq.s32 s10, $0x1;
	s10 =	sld [smem:$0x3FB4];
	_ =	sdelay $0x3  }
0x37: {  	[smem:$0x3FB4] =	sst s10  }
0x38: {  	s10 =	sld [smem:$0x3FB5]  }
0x39: {  	_ = 	snop;
	(pc) =	sbr.ind lr, $3  }
0x3a: {  	_ = 	snop  }
0x3b: {  	_ = 	snop  }
0x3c: {  	p2 =	seq.s32 s10, $0x1;
	s10 =	sld [smem:$0x3FB4]  }
0x3d: {  	_ =	shalt  }
0x3e: {  	_ =	shalt  }
0x3f: {  	_ =	shalt  }
0x40: {  	_ =	shalt  }
0x41: {  	_ =	shalt  }
0x42: {  	_ =	shalt  }
0x43: {  	_ =	shalt  }
0x44: {  	_ =	shalt  }
0x45: {  	_ =	shalt  }
0x46: {  	_ =	shalt  }
0x47: {  	_ =	shalt  }
0x48: {  	_ =	shalt  }
0x49: {  	_ =	shalt  }
0x4a: {  	_ =	shalt  }
0x4b: {  	_ =	shalt  }
0x4c: {  	_ =	shalt  }
0x4d: {  	_ =	shalt  }
0x4e: {  	_ =	shalt  }
0x4f: {  	_ =	shalt  }
0x50: {  	_ =	shalt  }
0x51: {  	_ =	shalt  }
0x52: {  	_ =	shalt  }
0x53: {  	_ =	shalt  }
0x54: {  	_ =	shalt  }
0x55: {  	_ =	shalt  }
0x56: {  	_ =	shalt  }
0x57: {  	_ =	shalt  }
0x58: {  	_ =	shalt  }
0x59: {  	_ =	shalt  }
0x5a: {  	_ =	shalt  }
0x5b: {  	_ =	shalt  }
0x5c: {  	_ =	shalt  }
0x5d: {  	_ =	shalt  }
0x5e: {  	_ =	shalt  }
0x5f: {  	_ =	shalt  }
0x60: {  	_ =	shalt  }
0x61: {  	_ =	shalt  }
0x62: {  	_ =	shalt  }
0x63: {  	_ =	shalt  }
0x64: {  	_ =	shalt  }
0x65: {  	_ =	shalt  }
0x66: {  	_ =	shalt  }
0x67: {  	_ =	shalt  }
0x68: {  	_ =	shalt  }
0x69: {  	_ =	shalt  }
0x6a: {  	_ =	shalt  }
0x6b: {  	_ =	shalt  }
0x6c: {  	_ =	shalt  }
0x6d: {  	_ =	shalt  }
0x6e: {  	_ =	shalt  }
0x6f: {  	_ =	shalt  }
0x70: {  	_ =	shalt  }
0x71: {  	_ =	shalt  }
0x72: {  	_ =	shalt  }
0x73: {  	_ =	shalt  }
0x74: {  	_ =	shalt  }
0x75: {  	_ =	shalt  }
0x76: {  	_ =	shalt  }
0x77: {  	_ =	shalt  }
0x78: {  	_ =	shalt  }
0x79: {  	_ =	shalt  }
0x7a: {  	_ =	shalt  }
0x7b: {  	_ =	shalt  }
0x7c: {  	_ =	shalt  }
0x7d: {  	_ =	shalt  }
0x7e: {  	_ =	shalt  }
0x7f: {  	_ =	shalt  }
0x80: {  	_ =	shalt  }
0x81: {  	_ =	shalt  }
0x82: {  	_ =	shalt  }
0x83: {  	_ =	shalt  }
0x84: {  	_ =	shalt  }
0x85: {  	_ =	shalt  }
0x86: {  	_ =	shalt  }
0x87: {  	_ =	shalt  }
.Lfunc_end0:
.L_simem_size_0:
called_computation.2_lowered:
.L_overlay_start_0:
0x88: {  	s2 =	sld [smem:$0x3FD9]  }
0x89: {  	s3 =	sld [smem:$0x3FFE];
	_ =	sdelay $0x1  }
0x8a: {  	s1 =	srdreg.scid  }
0x8b: {  	s0 =	sand.u32 $0x1, s1  }
0x8c: {  	s17 =	sshll.u32 s0, $0xA;
	s2 =	sadd.s32 s3, s2  }
0x8d: {  	s2 =	sadd.s32 s2, s17  }
0x8e: {  	[smem:$0x3FC0] =	sst s2  }
0x8f: {  	_ = 	snop  }
0x90: {  	s2 =	sld [smem:$0x3FD0];
	(tm) =	ssettm $0x1  }
0x91: {  	s18 =	sld [smem:$0x3FFB];
	_ =	sdelay $0x3  }
0x92: {  	_ =	strace s18  }
0x93: {  	s3 =	sld [smem:$0x3FFC];
	_ =	sdelay $0x3  }
0x94: {  	_ =	strace s3  }
0x95: {  	s3 =	sld [smem:$0x3FFD];
	_ =	sdelay $0x3  }
0x96: {  	_ =	strace s3  }
0x97: {  	_ =	strace $0x8FFFFFFF  }
0x98: {  	s19 =	sld [smem:$0x3FDB];
	_ =	sdelay $0x1  }
0x99: {  	s4 =	simm.s32 $_scs_section_size  }
0x9a: {  	s5 =	simm.s32 $_size__tile_overlayer_lowered;
	s6 =	simm.s32 $_tile_overlayer_lowered  }
0x9b: {  	s22 =	simm.s32 $0x1BFF;
	s21 =	sshll.u32 s6, $0x1;
	s3 =	sadd.s32 s4, s19  }
0x9c: {  	s7 =	simm.s32 $0x0;
	s20 =	sshll.u32 s5, $0x1;
	s5 =	sadd.s32 s21, s3  }
0x9d: {  	[timem:s7], [sflag:s22] =	dma.local [hbm:s5], s20  }
0x9e: {  	_ =	swait.ge [sflag:s22], s20  }
0x9f: {  	s4 =	ssub.s32 $0x0, s20;
	[sflag:s22] =	ssyncset.done $0x0  }
0xa0: {  	[sflag:s22] =	ssyncadd.s32 s4;
	_ =	sdelay $0x1  }
0xa1: {  	s23 =	simm.s32 $0x1B8B  }
0xa2: {  	_ =	swait.ge [sflag:s23], $0x1  }
0xa3: {  	[sflag:s23] =	ssyncset.done $0x0  }
0xa4: {  	s25 =	simm.s32 $0x1B8E;
	s24 =	sld [smem:$0x3FFE];
	[sflag:s23] =	ssyncadd.s32 $0xFFFFFFFF  }
0xa5: {  	s26 =	simm.s32 $execute0_lowered;
	[smem:$0x3FD2] =	sst s25  }
0xa6: {  	s5 =	sshll.u32 s26, $0x1;
	_ =	strace $0x8000004C;
	[dreg:$0x1] =	wrdreg $0xFFFFFFFF  }
0xa7: {  	s28 =	simm.s32 $_size_execute0_lowered;
	s3 =	sadd.s32 s3, s5;
	[dreg:$0x0] =	wrdreg $0x0  }
0xa8: {  	s5 =	sshll.u32 s28, $0x1;
	[dreg:$0x2] =	wrdreg s3  }
0xa9: {  	[dreg:$0x3] =	wrdreg s5  }
0xaa: {  	[dreg:$0x4] =	wrdreg $0xC0  }
0xab: {  	_ =	task [dreg:s7], $0x5FFFF  }
0xac: {  	[dreg:$0x1] =	wrdreg $0xFFFFFFFF  }
0xad: {  	[dreg:$0x0] =	wrdreg $0x60  }
0xae: {  	[dreg:$0x2] =	wrdreg s24  }
0xaf: {  	[dreg:$0x3] =	wrdreg s2  }
0xb0: {  	[dreg:$0x4] =	wrdreg $0x9  }
0xb1: {  	_ =	task.clear_ibuf [dreg:s7], $0x5FFFF;
	_ =	strace $0x9000004C  }
0xb2: {  	s29 =	simm.s32 $0x9;
	_ =	strace $0x8000004E  }
0xb3: {  	_ =	swait.ge [sflag:s29], $0x1  }
0xb4: {  	[sflag:s29] =	ssyncadd.s32 $0xFFFFFFFF  }
0xb5: {  	_ =	strace $0x9000004E  }
0xb6: {  	_ =	sfence  }
0xb7: {  	s30 =	sld [smem:$0x0];
	_ =	sdelay $0x2  }
0xb8: {  	s31 =	sshll.u32 s1, $0xD;
	s1 =	sshrl.u32 s1, $0x2  }
0xb9: {  	s3 =	sand.u32 $0x4000, s31;
	s1 =	sadd.s32 s1, s30  }
0xba: {  	s0 =	sor.u32 s3, s0;
	s1 =	sshll.u32 s1, $0x11  }
0xbb: {  	s0 =	sor.u32 s1, s0  }
0xbc: {  	s0 =	sadd.s32 $0x8F2B, s0  }
0xbd: {  	[sflag:s0] =	ssyncadd.remote.s32 $0x1  }
0xbe: {  	_ =	sfence.sel $0xFFFF  }
0xbf: {  	[dreg:$0x0] =	wrdreg $0xFFFFFFFF;
	(pc) =	sbr.abs _section_cstart, $3  }
0xc0: {  	[dreg:$0x1] =	wrdreg $0xFFFFFFFF  }
0xc1: {  	_ =	task.clear_ibuf [dreg:s7], $0x2FFFF;
	_ =	strace $0x9FFFFFFF  }
0xc2: {  	(tm) =	ssettm $0x7FFFFFFF  }
0xc3: {  	_ =	shalt  }
tec
execute0_lowered:
.L_overlay_start_1:
0x0: {  	(tag) =	ssettag $0x1  }
0x1: {  	s1 =	srdreg.scid;
	s0 =	stileid.u32  }
0x2: {  	s20 =	sand.u32 $0x1, s1;
	s30 =	sshll.u32 s0, $0x1  }
0x3: {  	s5 =	rddreg [dreg:$0x0];
	s21 =	sor.u32 s20, s30  }
0x4: {  	s22 =	rddreg [dreg:$0x1];
	s3 =	smul.u32 $0x31, s21  }
0x5: {  	s2 =	simm.s32 $0x0;
	s1 =	rddreg [dreg:$0x2]  }
0x6: {  	[smem:$0x7FF] =	sst s2;
	s3 =	sadd.s32 s3, s5  }
0x7: {  	_ =	strace $0x8000004D;
	s4 =	sadd.s32 $0x800, s3;
	s3 =	simm.s32 $0x2  }
0x8: {  	[tilespmem:s2], [sflag:$0x2] =	stream.linear.gather [hbm4b:s4+s2], $0x188, $0x38;
	[tilespmem:$0x6388] =	vst v63  }
0x9: {  	_ =	swait.ge [sflag:s3], $0x188  }
0xa: {  	s6 =	simm.s32 $0x38;
	[sflag:s3] =	ssyncset.done $0x0  }
0xb: {  	s7 =	simm.s32 $0x188;
	s5 =	sadd.s32 $0x182A00, s5;
	[sflag:s3] =	ssyncadd.s32 $0xFFFFFE78  }
0xc: {  	[tilespmem:s7], [sflag:$0x1] =	stream.indirect.gather [hbm4b:s5+s6], $0x40, s2, s6, $0xb8;
	[tilespmem:$0x6388] =	vst v63  }
0xd: {  	s8 =	simm.s32 $0xF88  }
0xe: {  	[tilespmem:s8], [sflag:$0x1] =	stream.indirect.gather [hbm4b:s5+s6], $0x40, s6, s6, $0xb8;
	[tilespmem:$0x6388] =	vst v63  }
0xf: {  	s9 =	simm.s32 $0x70;
	s10 =	simm.s32 $0x1D88  }
0x10: {  	[tilespmem:s10], [sflag:$0x1] =	stream.indirect.gather [hbm4b:s5+s6], $0x40, s9, s6, $0xb8;
	[tilespmem:$0x6388] =	vst v63  }
0x11: {  	s11 =	simm.s32 $0xA8;
	s12 =	simm.s32 $0x2B88  }
0x12: {  	[tilespmem:s12], [sflag:$0x1] =	stream.indirect.gather [hbm4b:s5+s6], $0x40, s11, s6, $0xb8;
	[tilespmem:$0x6388] =	vst v63  }
0x13: {  	s13 =	simm.s32 $0xE0;
	s14 =	simm.s32 $0x3988  }
0x14: {  	[tilespmem:s14], [sflag:$0x1] =	stream.indirect.gather [hbm4b:s5+s6], $0x40, s13, s6, $0xb8;
	[tilespmem:$0x6388] =	vst v63  }
0x15: {  	s15 =	simm.s32 $0x118;
	s16 =	simm.s32 $0x4788  }
0x16: {  	[tilespmem:s16], [sflag:$0x1] =	stream.indirect.gather [hbm4b:s5+s6], $0x40, s15, s6, $0xb8;
	[tilespmem:$0x6388] =	vst v63  }
0x17: {  	s17 =	simm.s32 $0x150;
	s18 =	simm.s32 $0x5588;
	s19 =	simm.s32 $0x1  }
0x18: {  	[tilespmem:s18], [sflag:$0x1] =	stream.indirect.gather [hbm4b:s5+s6], $0x40, s17, s6, $0xb8;
	[tilespmem:$0x6388] =	vst v63  }
0x19: {  	_ =	swait.ge [sflag:s19], $0xE00  }
0x1a: {  	[sflag:s19] =	ssyncset.done $0x0  }
0x1b: {  	[sflag:s19] =	ssyncadd.s32 $0xFFFFF200  }
0x1c: {  	_ =	swait.ge [sflag:s19], $0xE00  }
0x1d: {  	[sflag:s19] =	ssyncset.done $0x0  }
0x1e: {  	[sflag:s19] =	ssyncadd.s32 $0xFFFFF200  }
0x1f: {  	_ =	swait.ge [sflag:s19], $0xE00  }
0x20: {  	[sflag:s19] =	ssyncset.done $0x0  }
0x21: {  	[sflag:s19] =	ssyncadd.s32 $0xFFFFF200  }
0x22: {  	_ =	swait.ge [sflag:s19], $0xE00  }
0x23: {  	[sflag:s19] =	ssyncset.done $0x0  }
0x24: {  	[sflag:s19] =	ssyncadd.s32 $0xFFFFF200  }
0x25: {  	_ =	swait.ge [sflag:s19], $0xE00  }
0x26: {  	[sflag:s19] =	ssyncset.done $0x0  }
0x27: {  	s20 =	ssub.s32 $0x2, s20;
	[sflag:s19] =	ssyncadd.s32 $0xFFFFF200  }
0x28: {  	s23 =	sshrl.u32 s20, $0x1;
	_ =	swait.ge [sflag:s19], $0xE00  }
0x29: {  	s23 =	ssub.s32 s20, s23;
	[sflag:s19] =	ssyncset.done $0x0  }
0x2a: {  	s31 =	smax.u32 s23, $0x1;
	[sflag:s19] =	ssyncadd.s32 $0xFFFFF200  }
0x2b: {  	s21 =	smul.u32 $0xC40, s21;
	p0 =	sne.s32 s31, $0x1;
	_ =	swait.ge [sflag:s19], $0xE00  }
.Ltmp0:
0x2c: {  	[sflag:s19] =	ssyncset.done $0x0;
	(pc) =	sbr.rel @!p0 .LBB2_2-.Ltmp0, $4  }
0x2d: {  	s20 =	sadd.s32 s22, s21;
	[sflag:s19] =	ssyncadd.s32 $0xFFFFF200  }
0x2e: {  	[hbm4b:s20+s2] =	stream.linear.scatter [tilespmem:s7], [sflag:$0x2], $0x6200, $0x38;
	[tilespmem:$0x6388] =	vst v63  }
0x2f: {  	_ =	swait.ge [sflag:s3], $0x6200  }
0x30: {  	s21 =	sadd.s32 $0xFFFFFFFF, s31;
	[sflag:s3] =	ssyncset.done $0x0  }
.LBB2_1:
0x31: {  	p0 =	sne.s32 s21, $0x1;
	s21 =	sadd.s32 $0xFFFFFFFF, s21;
	[sflag:s3] =	ssyncadd.s32 $0xFFFF9E00  }
0x32: {  	[tilespmem:s2], [sflag:$0x2] =	stream.linear.gather [hbm4b:s4+s2], $0x188, $0x38;
	[tilespmem:$0x6388] =	vst v63  }
0x33: {  	_ =	swait.ge [sflag:s3], $0x188  }
0x34: {  	[sflag:s3] =	ssyncset.done $0x0  }
0x35: {  	[sflag:s3] =	ssyncadd.s32 $0xFFFFFE78  }
0x36: {  	[tilespmem:s7], [sflag:$0x1] =	stream.indirect.gather [hbm4b:s5+s6], $0x40, s2, s6, $0xb8;
	[tilespmem:$0x6388] =	vst v63  }
0x37: {  	_ = 	snop  }
0x38: {  	[tilespmem:s8], [sflag:$0x1] =	stream.indirect.gather [hbm4b:s5+s6], $0x40, s6, s6, $0xb8;
	[tilespmem:$0x6388] =	vst v63  }
0x39: {  	_ = 	snop  }
0x3a: {  	[tilespmem:s10], [sflag:$0x1] =	stream.indirect.gather [hbm4b:s5+s6], $0x40, s9, s6, $0xb8;
	[tilespmem:$0x6388] =	vst v63  }
0x3b: {  	_ = 	snop  }
0x3c: {  	[tilespmem:s12], [sflag:$0x1] =	stream.indirect.gather [hbm4b:s5+s6], $0x40, s11, s6, $0xb8;
	[tilespmem:$0x6388] =	vst v63  }
0x3d: {  	_ = 	snop  }
0x3e: {  	[tilespmem:s14], [sflag:$0x1] =	stream.indirect.gather [hbm4b:s5+s6], $0x40, s13, s6, $0xb8;
	[tilespmem:$0x6388] =	vst v63  }
0x3f: {  	_ = 	snop  }
0x40: {  	[tilespmem:s16], [sflag:$0x1] =	stream.indirect.gather [hbm4b:s5+s6], $0x40, s15, s6, $0xb8;
	[tilespmem:$0x6388] =	vst v63  }
0x41: {  	_ = 	snop  }
0x42: {  	[tilespmem:s18], [sflag:$0x1] =	stream.indirect.gather [hbm4b:s5+s6], $0x40, s17, s6, $0xb8;
	[tilespmem:$0x6388] =	vst v63  }
0x43: {  	_ =	swait.ge [sflag:s19], $0xE00  }
0x44: {  	[sflag:s19] =	ssyncset.done $0x0  }
0x45: {  	[sflag:s19] =	ssyncadd.s32 $0xFFFFF200  }
0x46: {  	_ =	swait.ge [sflag:s19], $0xE00  }
0x47: {  	[sflag:s19] =	ssyncset.done $0x0  }
0x48: {  	[sflag:s19] =	ssyncadd.s32 $0xFFFFF200  }
0x49: {  	_ =	swait.ge [sflag:s19], $0xE00  }
0x4a: {  	[sflag:s19] =	ssyncset.done $0x0  }
0x4b: {  	[sflag:s19] =	ssyncadd.s32 $0xFFFFF200  }
0x4c: {  	_ =	swait.ge [sflag:s19], $0xE00  }
0x4d: {  	[sflag:s19] =	ssyncset.done $0x0  }
0x4e: {  	[sflag:s19] =	ssyncadd.s32 $0xFFFFF200  }
0x4f: {  	_ =	swait.ge [sflag:s19], $0xE00  }
0x50: {  	[sflag:s19] =	ssyncset.done $0x0  }
0x51: {  	[sflag:s19] =	ssyncadd.s32 $0xFFFFF200  }
0x52: {  	_ =	swait.ge [sflag:s19], $0xE00  }
0x53: {  	[sflag:s19] =	ssyncset.done $0x0  }
0x54: {  	[sflag:s19] =	ssyncadd.s32 $0xFFFFF200  }
0x55: {  	_ =	swait.ge [sflag:s19], $0xE00  }
.Ltmp1:
0x56: {  	[sflag:s19] =	ssyncset.done $0x0;
	(pc) =	sbr.rel @p0 .LBB2_1-.Ltmp1, $4  }
0x57: {  	[sflag:s19] =	ssyncadd.s32 $0xFFFFF200  }
0x58: {  	[hbm4b:s20+s2] =	stream.linear.scatter [tilespmem:s7], [sflag:$0x2], $0x6200, $0x38;
	[tilespmem:$0x6388] =	vst v63  }
0x59: {  	_ =	swait.ge [sflag:s3], $0x6200  }
0x5a: {  	[sflag:s3] =	ssyncset.done $0x0  }
.LBB2_2:
0x5b: {  	[sflag:s3] =	ssyncadd.s32 $0xFFFF9E00  }
0x5c: {  	_ =	sfence.sel $0x180000  }
0x5d: {  	[bflag:$0x0] =	sbarrier.arrive $0xFFFF  }
0x5e: {  	p0 =	sne.s32 s0, $0x0;
	_ =	strace $0x9000004D  }
0x5f: {  	s0 =	sadd.s32 @!p0 $0x100000, s1;
	[bflag:$0x2] =	sbarrier.arrive $0xFFFF  }
0x60: {  	[sflag:s0] =	ssyncadd.tile.s32 @!p0 $0x1;
	_ =	shalt  }
.Lfunc_end2:
_tile_overlayer_lowered:
.L_overlay_start_2:
0x61: {  	(tag) =	ssettag $0x2  }
0x62: {  	s0 =	rddreg [dreg:$0x0];
	s2 =	stileid.u32  }
0x63: {  	s1 =	rddreg [dreg:$0x1];
	p0 =	sne.s32 s2, $0x0  }
0x64: {  	s3 =	rddreg [dreg:$0x2];
	[bflag:$0x3] =	sbarrier.arrive $0xFFFF;
	s2 =	simm.s32 @!p0 $0x1C02  }
0x65: {  	[timem:s3], [sflag:s2] =	dma.local @!p0 [hbm:s0], s1  }
0x66: {  	s0 =	simm.s32 @!p0 $0x2  }
0x67: {  	_ =	swait.ge @!p0 [sflag:s0], s1  }
0x68: {  	s1 =	ssub.s32 @!p0 $0x0, s1;
	[sflag:s0] =	ssyncset.done @!p0 $0x0  }
0x69: {  	[sflag:s0] =	ssyncadd.s32 @!p0 s1  }
0x6a: {  	[bflag:$0x3] =	sbarrier.arrive $0xFFFF  }
0x6b: {  	_ =	shalt  }

// kernel: sparse-core-data-format-call.1.cloned.1.call-start
scs
called_computation.1_lowered:
.L_overlay_start_0:
0x0: {  	s2 =	sld [smem:$0x3FD9]  }
0x1: {  	s3 =	sld [smem:$0x3FFE];
	_ =	sdelay $0x1  }
0x2: {  	s1 =	srdreg.scid  }
0x3: {  	s0 =	sand.u32 $0x1, s1  }
0x4: {  	s18 =	sshll.u32 s0, $0xA;
	s2 =	sadd.s32 s3, s2  }
0x5: {  	s2 =	sadd.s32 s2, s18  }
0x6: {  	[smem:$0x3FC0] =	sst s2  }
0x7: {  	_ = 	snop  }
0x8: {  	s2 =	sld [smem:$0x3FC9];
	(tm) =	ssettm $0x1  }
0x9: {  	s19 =	sld [smem:$0x3FFB];
	_ =	sdelay $0x3  }
0xa: {  	_ =	strace s19  }
0xb: {  	s3 =	sld [smem:$0x3FFC];
	_ =	sdelay $0x3  }
0xc: {  	_ =	strace s3  }
0xd: {  	s3 =	sld [smem:$0x3FFD];
	_ =	sdelay $0x3  }
0xe: {  	_ =	strace s3  }
0xf: {  	_ =	strace $0x8FFFFFFF  }
0x10: {  	s20 =	sld [smem:$0x3FDB];
	_ =	sdelay $0x1  }
0x11: {  	s4 =	simm.s32 $_scs_section_size  }
0x12: {  	s5 =	simm.s32 $_size__tile_overlayer_lowered;
	s6 =	simm.s32 $_tile_overlayer_lowered  }
0x13: {  	s23 =	simm.s32 $0x1BFF;
	s22 =	sshll.u32 s6, $0x1;
	s3 =	sadd.s32 s4, s20  }
0x14: {  	s7 =	simm.s32 $0x0;
	s21 =	sshll.u32 s5, $0x1;
	s5 =	sadd.s32 s22, s3  }
0x15: {  	[timem:s7], [sflag:s23] =	dma.local [hbm:s5], s21  }
0x16: {  	_ =	swait.ge [sflag:s23], s21  }
0x17: {  	s4 =	ssub.s32 $0x0, s21;
	[sflag:s23] =	ssyncset.done $0x0  }
0x18: {  	[sflag:s23] =	ssyncadd.s32 s4;
	_ =	sdelay $0x1  }
0x19: {  	s24 =	simm.s32 $0x1B8B  }
0x1a: {  	_ =	swait.ge [sflag:s24], $0x1  }
0x1b: {  	[sflag:s24] =	ssyncset.done $0x0  }
0x1c: {  	s26 =	simm.s32 $0x1B8E;
	s25 =	sld [smem:$0x3FFE];
	[sflag:s24] =	ssyncadd.s32 $0xFFFFFFFF  }
0x1d: {  	s27 =	simm.s32 $execute0_lowered;
	[smem:$0x3FD2] =	sst s26  }
0x1e: {  	s5 =	sshll.u32 s27, $0x1;
	_ =	strace $0x80000046;
	[dreg:$0x1] =	wrdreg $0xFFFFFFFF  }
0x1f: {  	s28 =	simm.s32 $_size_execute0_lowered;
	s3 =	sadd.s32 s3, s5;
	[dreg:$0x0] =	wrdreg $0x0  }
0x20: {  	s5 =	sshll.u32 s28, $0x1;
	[dreg:$0x2] =	wrdreg s3  }
0x21: {  	[dreg:$0x3] =	wrdreg s5  }
0x22: {  	[dreg:$0x4] =	wrdreg $0xC0  }
0x23: {  	_ =	task [dreg:s7], $0x5FFFF  }
0x24: {  	[dreg:$0x1] =	wrdreg $0xFFFFFFFF  }
0x25: {  	[dreg:$0x0] =	wrdreg $0x60  }
0x26: {  	[dreg:$0x2] =	wrdreg s2  }
0x27: {  	[dreg:$0x3] =	wrdreg s25  }
0x28: {  	[dreg:$0x4] =	wrdreg $0x9  }
0x29: {  	_ =	task.clear_ibuf [dreg:s7], $0x5FFFF;
	_ =	strace $0x90000046  }
0x2a: {  	s29 =	simm.s32 $0x9;
	_ =	strace $0x80000048  }
0x2b: {  	_ =	swait.ge [sflag:s29], $0x1  }
0x2c: {  	[sflag:s29] =	ssyncadd.s32 $0xFFFFFFFF  }
0x2d: {  	_ =	strace $0x90000048  }
0x2e: {  	_ =	sfence  }
0x2f: {  	s30 =	sld [smem:$0x0];
	_ =	sdelay $0x2  }
0x30: {  	s31 =	sshll.u32 s1, $0xD;
	s1 =	sshrl.u32 s1, $0x2  }
0x31: {  	s3 =	sand.u32 $0x4000, s31;
	s1 =	sadd.s32 s1, s30  }
0x32: {  	s0 =	sor.u32 s3, s0;
	s1 =	sshll.u32 s1, $0x11  }
0x33: {  	s0 =	sor.u32 s1, s0  }
0x34: {  	s0 =	sadd.s32 $0x8F2B, s0  }
0x35: {  	[sflag:s0] =	ssyncadd.remote.s32 $0x1  }
0x36: {  	_ =	sfence.sel $0xFFFF  }
0x37: {  	[dreg:$0x0] =	wrdreg $0xFFFFFFFF;
	(pc) =	sbr.abs _section_cstart, $3  }
0x38: {  	[dreg:$0x1] =	wrdreg $0xFFFFFFFF  }
0x39: {  	_ =	task.clear_ibuf [dreg:s7], $0x2FFFF;
	_ =	strace $0x9FFFFFFF  }
0x3a: {  	(tm) =	ssettm $0x7FFFFFFF  }
0x3b: {  	_ =	shalt  }
tec
execute0_lowered:
.L_overlay_start_1:
0x0: {  	(tag) =	ssettag $0x1  }
0x1: {  	s0 =	srdreg.scid  }
0x2: {  	s2 =	stileid.u32;
	s7 =	rddreg [dreg:$0x0];
	s0 =	sshll.u32 s0, $0x4  }
0x3: {  	s3 =	rddreg [dreg:$0x1];
	_ =	strace $0x80000047;
	s0 =	sor.u32 s2, s0  }
0x4: {  	s29 =	simm.s32 $0x1;
	s31 =	simm.s32 $0x2;
	s0 =	sshrl.u32 s0, $0x1  }
0x5: {  	s16 =	simm.s32 $0x0;
	s18 =	simm.s32 $0x0;
	s5 =	sand.u32 $0xE, s0  }
0x6: {  	s19 =	simm.s32 $0x0;
	s20 =	simm.s32 $0x0;
	s0 =	ssub.s32 $0x10, s5  }
0x7: {  	s11 =	simm.s32 $0x0;
	s13 =	simm.s32 $0x0;
	s1 =	sand.u32 $0xE, s0  }
0x8: {  	s30 =	sadd.s32 $0x800, s3;
	p0 =	sne.s32 s1, $0x0;
	s1 =	simm.s32 $0x1  }
0x9: {  	s10 =	sand.u32 $0x3, s2;
	s0 =	sshrl.u32 s0, $0x4;
	s1 =	simm.s32 @!p0 $0x0  }
.Ltmp0:
0xa: {  	[dreg:$0xf] =	wrdreg s30;
	s0 =	sadd.s32 s1, s0;
	(pc) =	sbr.rel .LBB1_1-.Ltmp0, $4  }
0xb: {  	s15 =	simm.s32 $0x0;
	[dreg:$0x10] =	wrdreg s10;
	s9 =	smul.u32 $0x15, s0  }
0xc: {  	s21 =	simm.s32 $0x0;
	[sflag:s29] =	ssyncpa.u1 $0x0;
	[dreg:$0xd] =	wrdreg s5  }
0xd: {  	[sflag:s31] =	ssyncpa.u1 $0x0;
	s17 =	sadd.s32 $0x1, s9;
	[dreg:$0xe] =	wrdreg s9  }
0xe: {  	s14 =	smov.u32 s10;
	s12 =	smov.u32 s5;
	[dreg:$0x11] =	wrdreg s17  }
.LBB1_7:
0xf: {  	s0 =	sadd.s32 $0x20, s11  }
0x10: {  	s1 =	sadd.s32 $0x10, s12;
	s2 =	smov.u32 s12;
	p1 =	sgt.s32 s0, $0xDF  }
0x11: {  	s2 =	smov.u32 @p1 s1  }
0x12: {  	s1 =	simm.s32 $0x1;
	p2 =	sgt.s32 s2, $0xF  }
0x13: {  	s1 =	simm.s32 @!p2 $0x0  }
0x14: {  	s1 =	sadd.s32 s1, s13  }
0x15: {  	s3 =	sadd.s32 $0x4, s14;
	s4 =	smov.u32 s14;
	p3 =	sgt.s32 s1, $0x2  }
0x16: {  	s4 =	smov.u32 @p3 s3  }
0x17: {  	p0 =	slt.u32 s15, $0x2;
	s0 =	simm.s32 @p1 $0x0;
	p1 =	sgt.s32 s4, $0x3  }
0x18: {  	s16 =	smov.u32 s11;
	s4 =	smov.u32 @p1 s10;
	p1 =	sne.s32 s15, s17  }
.Ltmp1:
0x19: {  	s18 =	smov.u32 s12;
	s19 =	smov.u32 s13;
	(pc) =	sbr.rel @!p1 .LBB1_8-.Ltmp1, $4  }
0x1a: {  	s20 =	smov.u32 s14;
	s11 =	smov.u32 s0;
	s3 =	simm.s32 @!p0 $0x2  }
0x1b: {  	s2 =	smov.u32 @p2 s5;
	s1 =	simm.s32 @p3 $0x0;
	_ =	swait.ge @!p0 [sflag:s3], $0x4000  }
0x1c: {  	s12 =	smov.u32 s2;
	s13 =	smov.u32 s1;
	[sflag:s3] =	ssyncset.done @!p0 $0x0  }
0x1d: {  	s15 =	sadd.s32 $0x1, s15;
	[sflag:s3] =	ssyncadd.s32 @!p0 $0xFFFFC000;
	s14 =	smov.u32 s4  }
.LBB1_1:
0x1e: {  	p0 =	sge.u32 s15, s9  }
0x1f: {  	s0 =	sshll.u32 @!p0 s11, $0x8;
	s1 =	sshll.u32 @!p0 s11, $0x7  }
0x20: {  	s0 =	sand.u32 @!p0 $0xFFFFF800, s0;
	s1 =	sand.u32 @!p0 $0x300, s1  }
0x21: {  	s3 =	smul.u32 @!p0 $0x54000, s14;
	s0 =	sor.u32 @!p0 s1, s0  }
0x22: {  	s4 =	smul.u32 @!p0 $0x1C000, s13;
	s0 =	sshrl.u32 @!p0 s0, $0x8  }
0x23: {  	s1 =	smulhi.u32 @!p0 $0x124924A, s0  }
0x24: {  	s31 =	sadd.s32 $0xFFFFFFFF, s15;
	s8 =	smul.u32 @!p0 $0x1C00, s12  }
0x25: {  	s6 =	sxor.u32 @!p0 $0xFFFFFFFF, s15;
	s3 =	sadd.s32 @!p0 s7, s3;
	s1 =	smul.u32 @!p0 $0xE0, s1  }
0x26: {  	s6 =	sshll.u32 @!p0 s6, $0xE;
	s3 =	sadd.s32 @!p0 s4, s3;
	s4 =	sshll.u32 @!p0 s11, $0x4  }
0x27: {  	s3 =	sadd.s32 @!p0 s8, s3;
	s0 =	ssub.s32 @!p0 s0, s1;
	s1 =	sand.u32 @!p0 $0x10, s4  }
0x28: {  	s4 =	sand.u32 @!p0 $0x4000, s6;
	s0 =	sshll.u32 @!p0 s0, $0x5;
	s1 =	sadd.s32 @!p0 s1, s3  }
0x29: {  	s3 =	simm.s32 @!p0 $0xE000;
	s0 =	sadd.s32 @!p0 s0, s1;
	s1 =	simm.s32 @!p0 $0x2000  }
0x2a: {  	[tilespmem:s4], [sflag:$0x1] =	stream.strided.gather @!p0 [hbm4b:s0+s1], $0x4000, s3, s1, $0x38;
	[tilespmem:$0x10000] =	vst v63  }
0x2b: {  	p0 =	sge.u32 s31, s9  }
.Ltmp2:
0x2c: {  	_ = 	snop;
	(pc) =	sbr.rel @p0 .LBB1_7-.Ltmp2, $1  }
0x2d: {  	_ =	sdelay $0x3  }
0x2e: {  	s0 =	sshll.u32 s15, $0xE  }
0x2f: {  	[dreg:$0x14] =	wrdreg s20;
	s0 =	sand.u32 $0x4000, s0  }
0x30: {  	[dreg:$0x13] =	wrdreg s19;
	s31 =	sor.u32 $0x8000, s0  }
0x31: {  	[dreg:$0x12] =	wrdreg s18;
	s1 =	simm.s32 $0x1;
	v0 =	vmov s0;
	v1 =	vmov s31  }
0x32: {  	_ =	swait.ge [sflag:s1], $0x4000  }
0x33: {  	p1 =	por $0x1, $0x1;
	[sflag:s1] =	ssyncset.done $0x0  }
0x34: {  	s22 =	simm.s32 $0x0;
	[sflag:s1] =	ssyncadd.s32 $0xFFFFC000;
	[dreg:$0x15] =	wrdreg s31  }
.LBB1_3:
0x35: {  	s0 =	sor.u32 $0x10, s22  }
0x36: {  	s23 =	sor.u32 $0x20, s22;
	[dreg:$0x3] =	wrdreg s0  }
0x37: {  	s24 =	sor.u32 $0x30, s22;
	[dreg:$0x4] =	wrdreg s23  }
0x38: {  	s25 =	sor.u32 $0x40, s22;
	[dreg:$0x5] =	wrdreg s24  }
0x39: {  	s26 =	sor.u32 $0x50, s22;
	[dreg:$0x6] =	wrdreg s25  }
0x3a: {  	s30 =	sor.u32 $0x60, s22;
	[dreg:$0x7] =	wrdreg s26  }
0x3b: {  	s31 =	sor.u32 $0x70, s22;
	[dreg:$0x8] =	wrdreg s30  }
0x3c: {  	s1 =	sor.u32 $0x410, s22;
	[dreg:$0x9] =	wrdreg s31  }
0x3d: {  	s2 =	sor.u32 $0x420, s22;
	[dreg:$0xa] =	wrdreg s1  }
0x3e: {  	s3 =	sor.u32 $0x430, s22;
	s4 =	sand.u32 $0x1800, s21;
	[dreg:$0xb] =	wrdreg s2  }
0x3f: {  	s6 =	sand.u32 $0x80, s21;
	[dreg:$0xc] =	wrdreg s3;
	s1 =	sand.u32 $0x380, s21  }
0x40: {  	s23 =	sor.u32 $0x440, s22;
	s3 =	rddreg [dreg:$0x4];
	s1 =	sor.u32 s1, s4  }
0x41: {  	s4 =	sor.u32 s22, s6;
	s28 =	sand.u32 $0x1B00, s1;
	s8 =	sor.u32 s23, s1  }
0x42: {  	s24 =	sor.u32 $0x450, s22;
	s5 =	rddreg [dreg:$0xc];
	s4 =	sor.u32 s28, s4;
	v2 =	vld.idx.msk [tilespmem:v0+s8+$0x0 ss:$0x1], $0xffff  }
0x43: {  	s25 =	sor.u32 $0x460, s22;
	s10 =	rddreg [dreg:$0x6];
	s29 =	sor.u32 s24, s1;
	v3 =	vld.idx.msk [tilespmem:v0+s4+$0x0 ss:$0x1], $0xffff  }
0x44: {  	s26 =	sor.u32 $0x470, s22;
	s9 =	rddreg [dreg:$0x8];
	s31 =	sor.u32 s25, s1;
	v4 =	vld.idx.msk [tilespmem:v0+s29+$0x0 ss:$0x1], $0xffff  }
0x45: {  	s27 =	rddreg [dreg:$0xb];
	s7 =	sor.u32 s26, s1;
	v5 =	vld.idx.msk [tilespmem:v0+s31+$0x0 ss:$0x1], $0xffff  }
0x46: {  	s30 =	rddreg [dreg:$0x5];
	s17 =	sor.u32 s3, s6;
	v6 =	vld.idx.msk [tilespmem:v0+s7+$0x0 ss:$0x1], $0xffff;
	s3 =	sor.u32 $0x400, s4  }
0x47: {  	s2 =	rddreg [dreg:$0x9];
	s19 =	sor.u32 s9, s6;
	s9 =	sor.u32 s27, s1;
	v8 =	vld.idx.msk [tilespmem:v0+s3+$0x0 ss:$0x1], $0xffff;
	[tilespmem:v1+s8+$0x0 ss:$0x1] =	vst.idx.msk $0xffff, v2  }
0x48: {  	s8 =	sor.u32 s5, s1;
	v2 =	vld.idx.msk [tilespmem:v0+s9+$0x0 ss:$0x1], $0xffff;
	[tilespmem:v1+s4+$0x0 ss:$0x1] =	vst.idx.msk $0xffff, v3  }
0x49: {  	s5 =	sor.u32 s28, s17;
	v7 =	vld.idx.msk [tilespmem:v0+s8+$0x0 ss:$0x1], $0xffff;
	s18 =	rddreg [dreg:$0xa]  }
0x4a: {  	s10 =	sor.u32 s10, s6;
	s0 =	sor.u32 s28, s19;
	v9 =	vld.idx.msk [tilespmem:v0+s5+$0x0 ss:$0x1], $0xffff;
	s20 =	rddreg [dreg:$0x7];
	[tilespmem:v1+s29+$0x0 ss:$0x1] =	vst.idx.msk $0xffff, v4  }
0x4b: {  	s2 =	sor.u32 s2, s6;
	v3 =	vld.idx.msk [tilespmem:v0+s0+$0x0 ss:$0x1], $0xffff;
	s29 =	sor.u32 s28, s10;
	s17 =	rddreg [dreg:$0x3];
	[tilespmem:v1+s31+$0x0 ss:$0x1] =	vst.idx.msk $0xffff, v5  }
0x4c: {  	p0 =	por p1, p1;
	s4 =	sor.u32 s28, s2;
	v4 =	vld.idx.msk [tilespmem:v0+s29+$0x0 ss:$0x1], $0xffff;
	[tilespmem:v1+s7+$0x0 ss:$0x1] =	vst.idx.msk $0xffff, v6  }
0x4d: {  	s27 =	simm.s32 $0x100;
	s10 =	sor.u32 s18, s1;
	s20 =	sor.u32 s20, s6;
	v6 =	vld.idx.msk [tilespmem:v0+s4+$0x0 ss:$0x1], $0xffff;
	[tilespmem:v1+s3+$0x0 ss:$0x1] =	vst.idx.msk $0xffff, v8  }
0x4e: {  	s31 =	sor.u32 s30, s6;
	v5 =	vld.idx.msk [tilespmem:v0+s10+$0x0 ss:$0x1], $0xffff;
	s6 =	sor.u32 s17, s6;
	[tilespmem:v1+s8+$0x0 ss:$0x1] =	vst.idx.msk $0xffff, v7;
	s8 =	sor.u32 s28, s20  }
0x4f: {  	s1 =	sor.u32 s28, s31;
	s6 =	sor.u32 s28, s6;
	[tilespmem:v1+s5+$0x0 ss:$0x1] =	vst.idx.msk $0xffff, v9;
	s28 =	simm.s32 $0x80;
	v7 =	vld.idx.msk [tilespmem:v0+s8+$0x0 ss:$0x1], $0xffff  }
.LBB1_4:
0x50: {  	s2 =	sand.u32 $0x1800, s27;
	s3 =	sand.u32 $0x380, s28  }
0x51: {  	v8 =	vld.idx.msk [tilespmem:v0+s1+$0x0 ss:$0x1], $0xffff;
	s3 =	sor.u32 s3, s2;
	[tilespmem:v1+s9+$0x0 ss:$0x1] =	vst.idx.msk $0xffff, v2  }
0x52: {  	s5 =	rddreg [dreg:$0x4];
	s30 =	sand.u32 $0x80, s28;
	s7 =	sor.u32 s23, s3;
	v2 =	vld.idx.msk [tilespmem:v0+s6+$0x0 ss:$0x1], $0xffff;
	[tilespmem:v1+s0+$0x0 ss:$0x1] =	vst.idx.msk $0xffff, v3  }
0x53: {  	s5 =	sor.u32 s5, s30;
	s31 =	sand.u32 $0x1B00, s3;
	s17 =	sor.u32 s26, s3;
	[tilespmem:v1+s29+$0x0 ss:$0x1] =	vst.idx.msk $0xffff, v4;
	v3 =	vld.idx.msk [tilespmem:v0+s7+$0x0 ss:$0x1], $0xffff  }
0x54: {  	s18 =	sor.u32 s22, s30;
	s5 =	sor.u32 s31, s5;
	[tilespmem:v1+s8+$0x0 ss:$0x1] =	vst.idx.msk $0xffff, v7;
	v7 =	vld.idx.msk [tilespmem:v0+s17+$0x0 ss:$0x1], $0xffff  }
0x55: {  	s19 =	rddreg [dreg:$0x8];
	s0 =	sor.u32 s31, s18;
	[tilespmem:v1+s10+$0x0 ss:$0x1] =	vst.idx.msk $0xffff, v5;
	v10 =	vld.idx.msk [tilespmem:v0+s5+$0x0 ss:$0x1], $0xffff  }
0x56: {  	s9 =	rddreg [dreg:$0xc];
	s10 =	sor.u32 s24, s3;
	[tilespmem:v1+s4+$0x0 ss:$0x1] =	vst.idx.msk $0xffff, v6;
	v4 =	vld.idx.msk [tilespmem:v0+s0+$0x0 ss:$0x1], $0xffff  }
0x57: {  	s4 =	rddreg [dreg:$0x6];
	s18 =	sor.u32 s25, s3;
	v5 =	vld.idx.msk [tilespmem:v0+s10+$0x0 ss:$0x1], $0xffff;
	[tilespmem:v1+s1+$0x0 ss:$0x1] =	vst.idx.msk $0xffff, v8  }
0x58: {  	s8 =	sor.u32 s19, s30;
	s19 =	rddreg [dreg:$0x9];
	s2 =	sor.u32 s9, s3;
	v6 =	vld.idx.msk [tilespmem:v0+s18+$0x0 ss:$0x1], $0xffff;
	[tilespmem:v1+s6+$0x0 ss:$0x1] =	vst.idx.msk $0xffff, v2  }
0x59: {  	s20 =	sor.u32 $0x400, s0;
	s9 =	rddreg [dreg:$0xb];
	s4 =	sor.u32 s4, s30;
	v8 =	vld.idx.msk [tilespmem:v0+s2+$0x0 ss:$0x1], $0xffff;
	[tilespmem:v1+s7+$0x0 ss:$0x1] =	vst.idx.msk $0xffff, v3  }
0x5a: {  	v9 =	vld.idx.msk [tilespmem:v0+s20+$0x0 ss:$0x1], $0xffff;
	s9 =	sor.u32 s9, s3;
	s29 =	sor.u32 s31, s4;
	s4 =	rddreg [dreg:$0x7];
	[tilespmem:v1+s17+$0x0 ss:$0x1] =	vst.idx.msk $0xffff, v7  }
0x5b: {  	p1 =	sne.s32 s27, $0x1F00;
	s6 =	rddreg [dreg:$0x5];
	v2 =	vld.idx.msk [tilespmem:v0+s9+$0x0 ss:$0x1], $0xffff;
	[tilespmem:v1+s5+$0x0 ss:$0x1] =	vst.idx.msk $0xffff, v10  }
.Ltmp3:
0x5c: {  	s7 =	rddreg [dreg:$0xa];
	[tilespmem:v1+s0+$0x0 ss:$0x1] =	vst.idx.msk $0xffff, v4;
	s0 =	sor.u32 s31, s8;
	v4 =	vld.idx.msk [tilespmem:v0+s29+$0x0 ss:$0x1], $0xffff;
	(pc) =	sbr.rel @p1 .LBB1_4-.Ltmp3, $4  }
0x5d: {  	[tilespmem:v1+s10+$0x0 ss:$0x1] =	vst.idx.msk $0xffff, v5;
	s1 =	sor.u32 s6, s30;
	s6 =	sor.u32 s19, s30;
	s10 =	sor.u32 s7, s3;
	v3 =	vld.idx.msk [tilespmem:v0+s0+$0x0 ss:$0x1], $0xffff  }
0x5e: {  	s8 =	rddreg [dreg:$0x3];
	[tilespmem:v1+s18+$0x0 ss:$0x1] =	vst.idx.msk $0xffff, v6;
	s19 =	sor.u32 s4, s30;
	s4 =	sor.u32 s31, s6;
	v5 =	vld.idx.msk [tilespmem:v0+s10+$0x0 ss:$0x1], $0xffff  }
0x5f: {  	s27 =	sadd.s32 $0x100, s27;
	[tilespmem:v1+s2+$0x0 ss:$0x1] =	vst.idx.msk $0xffff, v8;
	s30 =	sor.u32 s8, s30;
	s8 =	sor.u32 s31, s19;
	v6 =	vld.idx.msk [tilespmem:v0+s4+$0x0 ss:$0x1], $0xffff  }
0x60: {  	s28 =	sadd.s32 $0x80, s28;
	s1 =	sor.u32 s31, s1;
	[tilespmem:v1+s20+$0x0 ss:$0x1] =	vst.idx.msk $0xffff, v9;
	s6 =	sor.u32 s31, s30;
	v7 =	vld.idx.msk [tilespmem:v0+s8+$0x0 ss:$0x1], $0xffff  }
0x61: {  	_ =	sdelay $0x3  }
0x62: {  	[tilespmem:v1+s9+$0x0 ss:$0x1] =	vst.idx.msk $0xffff, v2  }
0x63: {  	v2 =	vld.idx.msk [tilespmem:v0+s1+$0x0 ss:$0x1], $0xffff;
	[tilespmem:v1+s29+$0x0 ss:$0x1] =	vst.idx.msk $0xffff, v4  }
0x64: {  	[tilespmem:v1+s0+$0x0 ss:$0x1] =	vst.idx.msk $0xffff, v3;
	v3 =	vld.idx.msk [tilespmem:v0+s6+$0x0 ss:$0x1], $0xffff  }
.Ltmp4:
0x65: {  	[tilespmem:v1+s10+$0x0 ss:$0x1] =	vst.idx.msk $0xffff, v5;
	(pc) =	sbr.rel @p0 .LBB1_3-.Ltmp4, $4  }
0x66: {  	[tilespmem:v1+s4+$0x0 ss:$0x1] =	vst.idx.msk $0xffff, v6  }
0x67: {  	[tilespmem:v1+s8+$0x0 ss:$0x1] =	vst.idx.msk $0xffff, v7  }
0x68: {  	[tilespmem:v1+s1+$0x0 ss:$0x1] =	vst.idx.msk $0xffff, v2  }
0x69: {  	s22 =	simm.s32 $0x2000;
	p1 =	por $0x0, $0x0;
	[tilespmem:v1+s6+$0x0 ss:$0x1] =	vst.idx.msk $0xffff, v3  }
0x6a: {  	s0 =	sshll.u32 s16, $0x8;
	s1 =	sshll.u32 s16, $0x7;
	s2 =	rddreg [dreg:$0x14]  }
0x6b: {  	s3 =	rddreg [dreg:$0x13];
	s0 =	sand.u32 $0xFFFFF800, s0;
	s1 =	sand.u32 $0x300, s1  }
0x6c: {  	s4 =	rddreg [dreg:$0x12];
	s2 =	smul.u32 $0x54000, s2;
	s0 =	sor.u32 s1, s0  }
0x6d: {  	s5 =	rddreg [dreg:$0xf];
	s3 =	smul.u32 $0x1C00, s3;
	s0 =	sshrl.u32 s0, $0x8  }
0x6e: {  	s27 =	sshll.u32 s16, $0x4;
	s31 =	rddreg [dreg:$0x15];
	s26 =	smulhi.u32 $0x124924A, s0  }
0x6f: {  	s29 =	simm.s32 $0x2000;
	s7 =	rddreg [dreg:$0x0];
	s4 =	smul.u32 $0x5400, s4  }
0x70: {  	s9 =	rddreg [dreg:$0xe];
	s2 =	sadd.s32 s5, s2;
	s1 =	smul.u32 $0xE0, s26  }
.Ltmp5:
0x71: {  	s10 =	rddreg [dreg:$0x10];
	s2 =	sadd.s32 s3, s2;
	(pc) =	sbr.rel .LBB1_7-.Ltmp5, $4  }
0x72: {  	s28 =	sand.u32 $0x10, s27;
	s2 =	sadd.s32 s4, s2;
	s0 =	ssub.s32 s0, s1  }
0x73: {  	s17 =	rddreg [dreg:$0x11];
	s1 =	sadd.s32 s28, s2;
	s0 =	sshll.u32 s0, $0x5  }
0x74: {  	s30 =	simm.s32 $0x2A000;
	s5 =	rddreg [dreg:$0xd];
	s0 =	sadd.s32 s0, s1  }
0x75: {  	[hbm4b:s0+s29] =	stream.strided.scatter [tilespmem:s31], [sflag:$0x2], $0x4000, s30, s29, $0x38;
	[tilespmem:$0x10000] =	vst v63  }
.LBB1_8:
0x76: {  	_ =	sfence.sel $0x180000  }
0x77: {  	s0 =	simm.s32 $0x1;
	[bflag:$0x0] =	sbarrier.arrive $0xFFFF  }
0x78: {  	s30 =	simm.s32 $0x2;
	[sflag:s0] =	ssyncpa.u1 $0x1  }
0x79: {  	[sflag:s30] =	ssyncpa.u1 $0x1  }
0x7a: {  	_ =	strace $0x90000047  }
0x7b: {  	s31 =	stileid.u32;
	[bflag:$0x2] =	sbarrier.arrive $0xFFFF  }
0x7c: {  	p0 =	sne.s32 s31, $0x0;
	s0 =	rddreg [dreg:$0x2]  }
0x7d: {  	s0 =	sadd.s32 @!p0 $0x100000, s0  }
0x7e: {  	[sflag:s0] =	ssyncadd.tile.s32 @!p0 $0x1;
	_ =	shalt  }
.Lfunc_end1:
_tile_overlayer_lowered:
.L_overlay_start_2:
0x7f: {  	(tag) =	ssettag $0x2  }
0x80: {  	s0 =	rddreg [dreg:$0x0];
	s2 =	stileid.u32  }
0x81: {  	s1 =	rddreg [dreg:$0x1];
	p0 =	sne.s32 s2, $0x0  }
0x82: {  	s3 =	rddreg [dreg:$0x2];
	[bflag:$0x3] =	sbarrier.arrive $0xFFFF;
	s2 =	simm.s32 @!p0 $0x1C01  }
0x83: {  	[timem:s3], [sflag:s2] =	dma.local @!p0 [hbm:s0], s1  }
0x84: {  	s0 =	simm.s32 @!p0 $0x1  }
0x85: {  	_ =	swait.ge @!p0 [sflag:s0], s1  }
0x86: {  	s1 =	ssub.s32 @!p0 $0x0, s1;
	[sflag:s0] =	ssyncset.done @!p0 $0x0  }
0x87: {  	[sflag:s0] =	ssyncadd.s32 @!p0 s1  }
0x88: {  	[bflag:$0x3] =	sbarrier.arrive $0xFFFF  }
0x89: {  	_ =	shalt  }

// kernel: sparse-core-data-format-call.cloned.1.call-start
scs
called_computation_lowered:
.L_overlay_start_0:
0x0: {  	s1 =	sld [smem:$0x3FD9]  }
0x1: {  	s2 =	sld [smem:$0x3FFE];
	_ =	sdelay $0x1  }
0x2: {  	s3 =	srdreg.scid  }
0x3: {  	s0 =	sand.u32 $0x1, s3  }
0x4: {  	s17 =	sshll.u32 s0, $0xA;
	s1 =	sadd.s32 s2, s1  }
0x5: {  	s1 =	sadd.s32 s1, s17  }
0x6: {  	[smem:$0x3FC0] =	sst s1  }
0x7: {  	_ = 	snop  }
0x8: {  	(tm) =	ssettm $0x1  }
0x9: {  	s18 =	sld [smem:$0x3FFB];
	_ =	sdelay $0x3  }
0xa: {  	_ =	strace s18  }
0xb: {  	s1 =	sld [smem:$0x3FFC];
	_ =	sdelay $0x3  }
0xc: {  	_ =	strace s1  }
0xd: {  	s1 =	sld [smem:$0x3FFD];
	_ =	sdelay $0x3  }
0xe: {  	_ =	strace s1  }
0xf: {  	_ =	strace $0x8FFFFFFF  }
0x10: {  	s19 =	sld [smem:$0x3FDB];
	_ =	sdelay $0x1  }
0x11: {  	s20 =	simm.s32 $_scs_section_size  }
0x12: {  	s4 =	simm.s32 $_size__tile_overlayer_lowered;
	s5 =	simm.s32 $_tile_overlayer_lowered  }
0x13: {  	s23 =	simm.s32 $0x1BFF;
	s22 =	sshll.u32 s5, $0x1;
	s1 =	sadd.s32 s20, s19  }
0x14: {  	s6 =	simm.s32 $0x0;
	s21 =	sshll.u32 s4, $0x1;
	s4 =	sadd.s32 s22, s1  }
0x15: {  	[timem:s6], [sflag:s23] =	dma.local [hbm:s4], s21  }
0x16: {  	_ =	swait.ge [sflag:s23], s21  }
0x17: {  	s2 =	ssub.s32 $0x0, s21;
	[sflag:s23] =	ssyncset.done $0x0  }
0x18: {  	[sflag:s23] =	ssyncadd.s32 s2;
	_ =	sdelay $0x1  }
0x19: {  	s24 =	simm.s32 $0x1B8B  }
0x1a: {  	_ =	swait.ge [sflag:s24], $0x1  }
0x1b: {  	[sflag:s24] =	ssyncset.done $0x0  }
0x1c: {  	s26 =	simm.s32 $0x1B8E;
	s25 =	sld [smem:$0x3FFE];
	[sflag:s24] =	ssyncadd.s32 $0xFFFFFFFF  }
0x1d: {  	s27 =	simm.s32 $execute0_lowered;
	[smem:$0x3FD2] =	sst s26  }
0x1e: {  	s4 =	sshll.u32 s27, $0x1;
	_ =	strace $0x80000049;
	[dreg:$0x1] =	wrdreg $0xFFFFFFFF  }
0x1f: {  	s28 =	simm.s32 $_size_execute0_lowered;
	s1 =	sadd.s32 s1, s4;
	[dreg:$0x0] =	wrdreg $0x0  }
0x20: {  	s4 =	sshll.u32 s28, $0x1;
	[dreg:$0x2] =	wrdreg s1  }
0x21: {  	[dreg:$0x3] =	wrdreg s4  }
0x22: {  	[dreg:$0x4] =	wrdreg $0xC0  }
0x23: {  	_ =	task [dreg:s6], $0x5FFFF  }
0x24: {  	[dreg:$0x1] =	wrdreg $0xFFFFFFFF  }
0x25: {  	[dreg:$0x0] =	wrdreg $0x60  }
0x26: {  	[dreg:$0x2] =	wrdreg s25  }
0x27: {  	[dreg:$0x3] =	wrdreg $0x9  }
0x28: {  	_ =	task.clear_ibuf [dreg:s6], $0x4FFFF;
	_ =	strace $0x90000049  }
0x29: {  	s29 =	simm.s32 $0x9;
	_ =	strace $0x8000004B  }
0x2a: {  	_ =	swait.ge [sflag:s29], $0x1  }
0x2b: {  	[sflag:s29] =	ssyncadd.s32 $0xFFFFFFFF  }
0x2c: {  	_ =	strace $0x9000004B  }
0x2d: {  	_ =	sfence  }
0x2e: {  	s30 =	sld [smem:$0x0];
	_ =	sdelay $0x2  }
0x2f: {  	s31 =	sshll.u32 s3, $0xD;
	s3 =	sshrl.u32 s3, $0x2  }
0x30: {  	s2 =	sand.u32 $0x4000, s31;
	s1 =	sadd.s32 s3, s30  }
0x31: {  	s0 =	sor.u32 s2, s0;
	s1 =	sshll.u32 s1, $0x11  }
0x32: {  	s0 =	sor.u32 s1, s0  }
0x33: {  	s0 =	sadd.s32 $0x8F2B, s0  }
0x34: {  	[sflag:s0] =	ssyncadd.remote.s32 $0x1  }
0x35: {  	_ =	sfence.sel $0xFFFF  }
0x36: {  	[dreg:$0x0] =	wrdreg $0xFFFFFFFF;
	(pc) =	sbr.abs _section_cstart, $3  }
0x37: {  	[dreg:$0x1] =	wrdreg $0xFFFFFFFF  }
0x38: {  	_ =	task.clear_ibuf [dreg:s6], $0x2FFFF;
	_ =	strace $0x9FFFFFFF  }
0x39: {  	(tm) =	ssettm $0x7FFFFFFF  }
tec
execute0_lowered:
.L_overlay_start_1:
0x0: {  	(tag) =	ssettag $0x1  }
0x1: {  	s0 =	rddreg [dreg:$0x0];
	s1 =	srdreg.scid;
	_ =	strace $0x8000004A  }
0x2: {  	s4 =	stileid.u32;
	s9 =	simm.s32 $0x2;
	s21 =	simm.s32 $0x0  }
0x3: {  	p0 =	por $0x0, $0x0;
	s12 =	simm.s32 $0x20;
	s13 =	simm.s32 $0x1800  }
0x4: {  	s22 =	simm.s32 $0x0;
	s23 =	simm.s32 $0x0;
	s24 =	simm.s32 $0x0  }
0x5: {  	s25 =	simm.s32 $0x0;
	s26 =	simm.s32 $0x0;
	s14 =	simm.s32 $0x0  }
0x6: {  	s15 =	simm.s32 $0x0;
	s18 =	simm.s32 $0x0;
	s19 =	simm.s32 $0x0  }
0x7: {  	s20 =	simm.s32 $0x0;
	s1 =	sshll.u32 s1, $0x4;
	s2 =	sadd.s32 $0x192E00, s0  }
0x8: {  	s3 =	sand.u32 $0x1, s4;
	s5 =	sadd.s32 $0xC12E00, s0;
	s10 =	sadd.s32 $0x12F6E00, s0  }
0x9: {  	s1 =	sand.u32 $0x10, s1;
	[dreg:$0x2] =	wrdreg s5;
	s6 =	ssub.s32 $0xE, s3  }
.Ltmp0:
0xa: {  	s7 =	sshrl.u32 s6, $0x1;
	s8 =	sand.u32 $0x1, s6;
	(pc) =	sbr.rel .LBB1_1-.Ltmp0, $4  }
0xb: {  	s5 =	simm.s32 $0x1;
	s17 =	smov.u32 s3;
	s31 =	sadd.s32 s8, s7  }
0xc: {  	s1 =	sor.u32 s4, s1;
	[sflag:s5] =	ssyncpa.u1 $0x0;
	s7 =	smul.u32 $0x2A, s31  }
0xd: {  	s6 =	sshrl.u32 s1, $0x1;
	s8 =	sadd.s32 $0xE5EE00, s0;
	[sflag:s9] =	ssyncpa.u1 $0x0  }
0xe: {  	s9 =	sadd.s32 $0x10AAE00, s0;
	s16 =	smov.u32 s6;
	s11 =	sor.u32 $0x1, s7  }
.LBB1_7:
0xf: {  	s0 =	sadd.s32 $0x1, s14  }
0x10: {  	s1 =	sadd.s32 $0x10, s16;
	s4 =	smov.u32 s16;
	p2 =	sgt.s32 s0, $0xD  }
0x11: {  	s4 =	smov.u32 @p2 s1  }
0x12: {  	s27 =	smov.u32 s17;
	s1 =	sadd.s32 $0x2, s17;
	p3 =	sgt.s32 s4, $0xF  }
0x13: {  	s27 =	smov.u32 @p3 s1  }
0x14: {  	s1 =	simm.s32 $0x1;
	p4 =	sgt.s32 s27, $0xD  }
0x15: {  	s21 =	sadd.s32 $0x10, s18;
	s1 =	simm.s32 @!p4 $0x0  }
0x16: {  	s28 =	smov.u32 s18;
	p1 =	slt.u32 s20, $0x2;
	s1 =	sadd.s32 s1, s15  }
0x17: {  	s29 =	smov.u32 s19;
	s22 =	smov.u32 s16;
	p5 =	sgt.s32 s1, $0x2  }
0x18: {  	s23 =	smov.u32 s17;
	s24 =	smov.u32 s15;
	s28 =	smov.u32 @p5 s21  }
0x19: {  	s0 =	simm.s32 @p2 $0x0;
	s21 =	sadd.s32 $0x4, s19;
	p2 =	sgt.s32 s28, $0xF  }
0x1a: {  	s25 =	smov.u32 s18;
	s26 =	smov.u32 s19;
	s29 =	smov.u32 @p2 s21  }
0x1b: {  	s30 =	simm.s32 @!p1 $0x2;
	s28 =	simm.s32 @p2 $0x0;
	p2 =	sgt.s32 s29, $0x3  }
0x1c: {  	_ =	swait.ge @!p1 [sflag:s30], $0x800;
	s29 =	simm.s32 @p2 $0x0;
	p2 =	sne.s32 s20, s11  }
.Ltmp1:
0x1d: {  	p0 =	por !p0, !p0;
	[sflag:s30] =	ssyncset.done @!p1 $0x0;
	(pc) =	sbr.rel @!p2 .LBB1_8-.Ltmp1, $4  }
0x1e: {  	s4 =	smov.u32 @p3 s6;
	[sflag:s30] =	ssyncadd.s32 @!p1 $0xFFFFF800;
	s27 =	smov.u32 @p4 s3  }
0x1f: {  	s16 =	smov.u32 s4;
	s17 =	smov.u32 s27;
	s1 =	simm.s32 @p5 $0x0  }
0x20: {  	s15 =	smov.u32 s1;
	s21 =	smov.u32 s14;
	s14 =	smov.u32 s0  }
0x21: {  	s18 =	smov.u32 s28;
	s20 =	sadd.s32 $0x1, s20;
	s19 =	smov.u32 s29  }
.LBB1_1:
0x22: {  	p1 =	sge.u32 s20, s7  }
0x23: {  	s0 =	smul.u32 @!p1 $0x2A0000, s19  }
0x24: {  	s1 =	smul.u32 @!p1 $0x2A000, s18  }
0x25: {  	s27 =	smul.u32 @!p1 $0xE000, s15;
	s0 =	sadd.s32 @!p1 s2, s0  }
0x26: {  	s31 =	sadd.s32 $0xFFFFFFFF, s20;
	s28 =	sxor.u32 @!p1 $0xFFFFFFFF, s20;
	s0 =	sadd.s32 @!p1 s1, s0  }
0x27: {  	s1 =	sshll.u32 @!p1 s28, $0xB;
	s28 =	sshll.u32 @!p1 s17, $0xC;
	s0 =	sadd.s32 @!p1 s27, s0  }
0x28: {  	s29 =	sshll.u32 @!p1 s14, $0x4;
	s27 =	sshll.u32 @!p1 s16, $0x8;
	s0 =	sadd.s32 @!p1 s28, s0  }
0x29: {  	s1 =	sand.u32 @!p1 $0x800, s1;
	s28 =	sand.u32 @!p1 $0xF0, s29;
	s0 =	sadd.s32 @!p1 s27, s0  }
0x2a: {  	s27 =	simm.s32 @!p1 $0x20;
	s0 =	sadd.s32 @!p1 s28, s0;
	s28 =	simm.s32 @!p1 $0x150000  }
0x2b: {  	[tilespmem:s1], [sflag:$0x1] =	stream.strided.gather @!p1 [hbm4b:s0+s27], $0x800, s28, s27, $0x38;
	[tilespmem:$0x2000] =	vst v63  }
0x2c: {  	p1 =	sge.u32 s31, s7  }
.Ltmp2:
0x2d: {  	_ = 	snop;
	(pc) =	sbr.rel @p1 .LBB1_7-.Ltmp2, $1  }
0x2e: {  	_ =	sdelay $0x3  }
0x2f: {  	s0 =	simm.s32 $0x1;
	_ =	swait.ge [sflag:s5], $0x800  }
0x30: {  	s4 =	sshll.u32 s20, $0xB;
	s31 =	simm.s32 $0x0;
	s0 =	simm.s32 @!p0 $0x0  }
0x31: {  	[sflag:s5] =	ssyncset.done $0x0;
	s27 =	sand.u32 $0x800, s4;
	s29 =	sshll.u32 s0, $0xB  }
0x32: {  	[sflag:s5] =	ssyncadd.s32 $0xFFFFF800;
	s28 =	sor.u32 $0x1000, s27;
	s30 =	sor.u32 $0x1000, s29  }
.LBB1_3:
0x33: {  	v1 =	vmov s29;
	_ =	sdelay $0x3  }
0x34: {  	s0 =	simm.s32 $0x0  }
0x35: {  	v2 =	vld.idx.msk [tilespmem:v1+s0+$0x10 ss:$0x1], $0xffff  }
0x36: {  	v0 =	vmov s30;
	s1 =	simm.s32 $0x80;
	v3 =	vld.idx.msk [tilespmem:v1+s0+$0x0 ss:$0x1], $0xffff  }
.LBB1_4:
0x37: {  	p1 =	sne.s32 s1, $0x780  }
.Ltmp3:
0x38: {  	_ = 	snop;
	(pc) =	sbr.rel @p1 .LBB1_4-.Ltmp3, $4  }
0x39: {  	_ = 	snop  }
0x3a: {  	s4 =	sshra.s32 s1, $0x2;
	s1 =	sadd.s32 $0x80, s1  }
0x3b: {  	[tilespmem:v0+s0+$0x10 ss:$0x1] =	vst.idx.msk $0xffff, v2;
	v2 =	vld.idx.msk [tilespmem:v1+s4+$0x10 ss:$0x1], $0xffff  }
0x3c: {  	[tilespmem:v0+s0+$0x0 ss:$0x1] =	vst.idx.msk $0xffff, v3;
	v3 =	vld.idx.msk [tilespmem:v1+s4+$0x0 ss:$0x1], $0xffff;
	s0 =	smov.u32 s4  }
0x3d: {  	s31 =	sadd.s32 $0x1, s31  }
0x3e: {  	p1 =	sne.s32 s31, $0x4  }
.Ltmp4:
0x3f: {  	_ = 	snop;
	(pc) =	sbr.rel @p1 .LBB1_3-.Ltmp4, $3  }
0x40: {  	_ =	sdelay $0x1  }
0x41: {  	[tilespmem:v0+s0+$0x10 ss:$0x1] =	vst.idx.msk $0xffff, v2  }
0x42: {  	s29 =	sadd.s32 $0x200, s29;
	s30 =	sadd.s32 $0x200, s30;
	[tilespmem:v0+s0+$0x0 ss:$0x1] =	vst.idx.msk $0xffff, v3  }
0x43: {  	s0 =	smul.u32 $0x24C000, s26  }
0x44: {  	s1 =	smul.u32 $0x300, s25;
	_ =	sdelay $0x1  }
0x45: {  	s31 =	rddreg [dreg:$0x2];
	s4 =	sadd.s32 s0, s1  }
0x46: {  	s23 =	smul.u32 $0x2A000, s23;
	s24 =	sshll.u32 s24, $0x8;
	s4 =	sadd.s32 s31, s4  }
0x47: {  	s21 =	smul.u32 $0x3000, s21;
	s4 =	sadd.s32 s24, s4  }
0x48: {  	s22 =	sshll.u32 s22, $0x4;
	s4 =	sadd.s32 s23, s4  }
0x49: {  	s22 =	sand.u32 $0xF0, s22;
	s4 =	sadd.s32 s21, s4  }
0x4a: {  	s26 =	sadd.s32 s0, s8;
	s4 =	sadd.s32 s22, s4  }
0x4b: {  	[hbm4b:s4+s12] =	stream.strided.scatter [tilespmem:s28], [sflag:$0x2], $0x200, s13, s12, $0x38;
	[tilespmem:$0x2000] =	vst v63  }
0x4c: {  	s4 =	sadd.s32 s1, s26  }
0x4d: {  	s4 =	sadd.s32 s24, s4  }
0x4e: {  	s4 =	sadd.s32 s23, s4  }
0x4f: {  	s4 =	sadd.s32 s21, s4  }
0x50: {  	s29 =	sadd.s32 s0, s9;
	s28 =	sadd.s32 $0x1200, s27;
	s4 =	sadd.s32 s22, s4  }
0x51: {  	[hbm4b:s4+s12] =	stream.strided.scatter [tilespmem:s28], [sflag:$0x2], $0x200, s13, s12, $0x38;
	[tilespmem:$0x2000] =	vst v63  }
0x52: {  	s0 =	sadd.s32 s0, s10;
	s4 =	sadd.s32 s1, s29  }
0x53: {  	s0 =	sadd.s32 s1, s0;
	s4 =	sadd.s32 s24, s4  }
0x54: {  	s0 =	sadd.s32 s24, s0;
	s4 =	sadd.s32 s23, s4  }
.Ltmp5:
0x55: {  	s0 =	sadd.s32 s23, s0;
	s4 =	sadd.s32 s21, s4;
	(pc) =	sbr.rel .LBB1_7-.Ltmp5, $4  }
0x56: {  	s30 =	sadd.s32 $0x1400, s27;
	s0 =	sadd.s32 s21, s0;
	s4 =	sadd.s32 s22, s4  }
0x57: {  	[hbm4b:s4+s12] =	stream.strided.scatter [tilespmem:s30], [sflag:$0x2], $0x200, s13, s12, $0x38;
	[tilespmem:$0x2000] =	vst v63  }
0x58: {  	s31 =	sadd.s32 $0x1600, s27;
	s0 =	sadd.s32 s22, s0  }
0x59: {  	[hbm4b:s0+s12] =	stream.strided.scatter [tilespmem:s31], [sflag:$0x2], $0x200, s13, s12, $0x38;
	[tilespmem:$0x2000] =	vst v63  }
.LBB1_8:
0x5a: {  	_ =	sfence.sel $0x180000  }
0x5b: {  	s0 =	simm.s32 $0x1;
	[bflag:$0x0] =	sbarrier.arrive $0xFFFF  }
0x5c: {  	s30 =	simm.s32 $0x2;
	[sflag:s0] =	ssyncpa.u1 $0x1  }
0x5d: {  	[sflag:s30] =	ssyncpa.u1 $0x1  }
0x5e: {  	_ =	strace $0x9000004A  }
0x5f: {  	s31 =	stileid.u32;
	[bflag:$0x2] =	sbarrier.arrive $0xFFFF  }
0x60: {  	p0 =	sne.s32 s31, $0x0;
	s0 =	rddreg [dreg:$0x1]  }
0x61: {  	s0 =	sadd.s32 @!p0 $0x100000, s0  }
0x62: {  	[sflag:s0] =	ssyncadd.tile.s32 @!p0 $0x1;
	_ =	shalt  }
.Lfunc_end1:
_tile_overlayer_lowered:
.L_overlay_start_2:
0x63: {  	(tag) =	ssettag $0x2  }
0x64: {  	s0 =	rddreg [dreg:$0x0];
	s2 =	stileid.u32  }
0x65: {  	s1 =	rddreg [dreg:$0x1];
	p0 =	sne.s32 s2, $0x0  }
0x66: {  	s3 =	rddreg [dreg:$0x2];
	[bflag:$0x3] =	sbarrier.arrive $0xFFFF;
	s2 =	simm.s32 @!p0 $0x1C01  }
0x67: {  	[timem:s3], [sflag:s2] =	dma.local @!p0 [hbm:s0], s1  }
0x68: {  	s0 =	simm.s32 @!p0 $0x1  }
0x69: {  	_ =	swait.ge @!p0 [sflag:s0], s1  }
0x6a: {  	s1 =	ssub.s32 @!p0 $0x0, s1;
	[sflag:s0] =	ssyncset.done @!p0 $0x0  }
0x6b: {  	[sflag:s0] =	ssyncadd.s32 @!p0 s1  }
0x6c: {  	[bflag:$0x3] =	sbarrier.arrive $0xFFFF  }
0x6d: {  	_ =	shalt  }

</sc_bundles>
